<compile_context>
chip_gen: v7x
topology: tpu7x:2x2x1
jax: 0.10.2.dev20260603
libtpu: 0.0.44.dev20260713+nightly
codegen_flags: <defaults>
</compile_context>

<pallas_src>
import functools

import jax
import jax.numpy as jnp
from jax import lax
from jax.experimental import pallas as pl
from jax.experimental.pallas import tpu as pltpu
from jax.experimental.pallas import tpu_sc as plsc

_PH, _PW = 7, 7
_S = 2
_SCALE = 0.125
_TRANS_STD = 0.1
_NBINS = _PH * _PW
_K = _S * _S * 4
_J = _NBINS * _K


def _stage_a_body(R, H, W, RB, roi_ref, offx_ref, offy_ref, idx_ref, w_ref):
    f32 = jnp.float32
    j = lax.broadcasted_iota(jnp.int32, (RB, _J), 1)
    r_glob = lax.broadcasted_iota(jnp.int32, (RB, _J), 0) + pl.program_id(0) * RB
    corner = j & 3
    sx = ((j >> 2) & 1).astype(f32)
    sy = ((j >> 3) & 1).astype(f32)
    binf = (j >> 4).astype(f32)
    ph = jnp.floor((binf + 0.5) * (1.0 / _PW))
    pw = binf - ph * float(_PW)

    b = roi_ref[:, 0:1]
    x1 = roi_ref[:, 1:2]
    y1 = roi_ref[:, 2:3]
    x2 = roi_ref[:, 3:4]
    y2 = roi_ref[:, 4:5]
    rsw = x1 * _SCALE - 0.5
    rsh = y1 * _SCALE - 0.5
    rew = x2 * _SCALE - 0.5
    reh = y2 * _SCALE - 0.5
    roi_w = rew - rsw
    roi_h = reh - rsh
    bin_w = roi_w / _PW
    bin_h = roi_h / _PH
    dh = offy_ref[...] * _TRANS_STD * roi_h
    dw = offx_ref[...] * _TRANS_STD * roi_w
    ys = rsh + ph * bin_h + (sy + 0.5) * bin_h / _S + dh
    xs = rsw + pw * bin_w + (sx + 0.5) * bin_w / _S + dw

    valid = (ys >= -1.0) & (ys <= float(H)) & (xs >= -1.0) & (xs <= float(W))
    y = jnp.maximum(ys, 0.0)
    x = jnp.maximum(xs, 0.0)
    y_low = jnp.minimum(jnp.floor(y), float(H - 1))
    x_low = jnp.minimum(jnp.floor(x), float(W - 1))
    y_high = jnp.minimum(y_low + 1.0, float(H - 1))
    x_high = jnp.minimum(x_low + 1.0, float(W - 1))
    y = jnp.where(y_low >= float(H - 1), jnp.float32(H - 1), y)
    x = jnp.where(x_low >= float(W - 1), jnp.float32(W - 1), x)
    ly = y - y_low
    lx = x - x_low
    hy = 1.0 - ly
    hx = 1.0 - lx

    use_yh = corner >= 2
    use_xh = (corner & 1) == 1
    yy = jnp.where(use_yh, y_high, y_low)
    xx = jnp.where(use_xh, x_high, x_low)
    wy = jnp.where(use_yh, ly, hy)
    wx = jnp.where(use_xh, lx, hx)
    wgt = wy * wx * 0.25
    wgt = jnp.where(valid & (r_glob < R), wgt, 0.0)

    idx = b * float(H * W) + yy * float(W) + xx
    idx_ref[...] = jnp.clip(idx.astype(jnp.int32), 0, H * W * 2 - 1)
    w_ref[...] = wgt


def _make_stage_a(R, RPAD, H, W):
    RB = 128
    body = functools.partial(_stage_a_body, R, H, W, RB)
    spec = pl.BlockSpec((RB, _J), lambda i: (i, 0))
    return pl.pallas_call(
        body,
        grid=(RPAD // RB,),
        in_specs=[pl.BlockSpec((RB, 5), lambda i: (i, 0)), spec, spec],
        out_specs=(spec, spec),
        out_shape=(jax.ShapeDtypeStruct((RPAD, _J), jnp.int32),
                   jax.ShapeDtypeStruct((RPAD, _J), jnp.float32)),
    )


def _gath(vec, pattern):
    dn = lax.GatherDimensionNumbers(
        offset_dims=(), collapsed_slice_dims=(0,), start_index_map=(0,))
    return lax.gather(vec, pattern.reshape(16, 1), dn, (1,),
                      mode=lax.GatherScatterMode.PROMISE_IN_BOUNDS)


def _splat(vec, k):
    return _gath(vec, jnp.full((16,), k, jnp.int32))


def _make_stage_b(NB, C):
    NW = 32
    per_w = NB // NW
    SB = 8
    ROWS = SB * _K
    n_sub = per_w // SB
    assert NB % NW == 0 and per_w % SB == 0 and n_sub % 2 == 0
    mesh = plsc.VectorSubcoreMesh(core_axis_name="c", subcore_axis_name="s")

    @functools.partial(
        pl.kernel, mesh=mesh,
        out_type=jax.ShapeDtypeStruct((NB, C), jnp.float32),
        scratch_types=[
            pltpu.VMEM((per_w * _K,), jnp.int32),
            pltpu.VMEM((per_w * _K,), jnp.float32),
            pltpu.VMEM((ROWS, C // 2), jnp.int32),
            pltpu.VMEM((ROWS, C // 2), jnp.int32),
            pltpu.VMEM((SB, C), jnp.float32),
            pltpu.SemaphoreType.DMA,
            pltpu.SemaphoreType.DMA,
        ])
    def sc(table, idx_h, w_h, out_h, idx_v, w_v, buf0, buf1, out_v, sem0, sem1):
        wid = lax.axis_index("s") * 2 + lax.axis_index("c")
        base = wid * (per_w * _K)
        pltpu.sync_copy(idx_h.at[pl.ds(base, per_w * _K)], idx_v)
        pltpu.sync_copy(w_h.at[pl.ds(base, per_w * _K)], w_v)
        bufs = (buf0, buf1)
        sems = (sem0, sem1)

        def start(sb, b):
            off = pl.multiple_of(sb * ROWS, ROWS)
            src = table.at[idx_v.at[pl.ds(off, ROWS)]]
            pltpu.make_async_copy(src, bufs[b], sems[b]).start()

        def wait(b):
            pltpu.make_async_copy(
                table.at[idx_v.at[pl.ds(0, ROWS)]], bufs[b], sems[b]).wait()

        start(0, 0)
        start(1, 1)

        def g_body(g, carry):
            for b in range(2):
                sb = g * 2 + b
                wait(b)
                buf = bufs[b]

                def bin_body(jj):
                    woff = pl.multiple_of((sb * SB + jj) * _K, _K)
                    wv = w_v[pl.ds(woff, 16)]
                    sp = [_splat(wv, k) for k in range(_K)]
                    row0 = jj * _K
                    lane = lax.iota(jnp.int32, 16)
                    p_lo = lane >> 1
                    p_hi = p_lo + 8
                    even = (lane & 1) == 0

                    def ch_body(jc):
                        cs = pl.ds(pl.multiple_of(jc * 16, 16), 16)
                        pe = []
                        po = []
                        for k in range(_K):
                            vi = buf[row0 + k, cs]
                            fe = lax.bitcast_convert_type(vi << 16, jnp.float32)
                            fo = lax.bitcast_convert_type(
                                vi & jnp.int32(-65536), jnp.float32)
                            pe.append(sp[k] * fe)
                            po.append(sp[k] * fo)
                        while len(pe) > 1:
                            pe = [p + q for p, q in zip(pe[::2], pe[1::2])]
                            po = [p + q for p, q in zip(po[::2], po[1::2])]
                        lo = jnp.where(even, _gath(pe[0], p_lo), _gath(po[0], p_lo))
                        hi = jnp.where(even, _gath(pe[0], p_hi), _gath(po[0], p_hi))
                        out_v[jj, pl.ds(pl.multiple_of(jc * 32, 16), 16)] = lo
                        out_v[jj, pl.ds(pl.multiple_of(jc * 32 + 16, 16), 16)] = hi

                    plsc.parallel_loop(0, C // 32)(ch_body)

                plsc.parallel_loop(0, SB)(bin_body)
                pltpu.sync_copy(out_v, out_h.at[pl.ds(wid * per_w + sb * SB, SB)])

                @pl.when(sb + 2 < n_sub)
                def _():
                    start(sb + 2, b)
            return carry

        lax.fori_loop(0, n_sub // 2, g_body, 0)

    return sc


def kernel(input, rois, offsets):
    N, C, H, W = input.shape
    R = rois.shape[0]
    RPAD = ((R + 255) // 256) * 256

    table = jnp.transpose(input, (0, 2, 3, 1)).reshape(N * H * W, C)
    table = jax.lax.bitcast_convert_type(
        table.astype(jnp.bfloat16).reshape(N * H * W, C // 2, 2), jnp.int32)
    rois_p = jnp.zeros((RPAD, 5), jnp.float32).at[:R].set(rois)
    offx = jnp.zeros((RPAD, _NBINS), jnp.float32).at[:R].set(
        offsets[:, 0].reshape(R, _NBINS))
    offy = jnp.zeros((RPAD, _NBINS), jnp.float32).at[:R].set(
        offsets[:, 1].reshape(R, _NBINS))
    offx = jnp.repeat(offx, _K, axis=1)
    offy = jnp.repeat(offy, _K, axis=1)

    idx, w = _make_stage_a(R, RPAD, H, W)(rois_p, offx, offy)
    out = _make_stage_b(RPAD * _NBINS, C)(table, idx.reshape(-1), w.reshape(-1))
    out = out[: R * _NBINS].reshape(R, _NBINS, C)
    return jnp.transpose(out, (0, 2, 1)).reshape(R, C, _PH, _PW)

# --- scband reference (transcript-rebuilt; emitter-appended) ---
"""Pipeline reference for scband-def-roialign-82669530514062 (READ-ONLY COPY).

The authoritative reference and input builder live on the scoring server;
editing this copy changes nothing except your own understanding.
"""

import jax, jax.numpy as jnp
import numpy as np

OUTPUT_SIZE = (7, 7)
SPATIAL_SCALE = 0.125
SAMPLING_RATIO = 2
TRANS_STD = 0.1
ALIGNED = True


def setup_inputs(seed: int = 0):
    key = jax.random.key(seed)
    k1, k2, k3, k4, k5, k6, k7 = jax.random.split(key, 7)
    N, C, H, W = 2, 256, 100, 152
    R = 1000
    inp = jax.random.normal(k1, (N, C, H, W), dtype=jnp.float32)
    img_h = H / SPATIAL_SCALE
    img_w = W / SPATIAL_SCALE
    batch_idx = jax.random.randint(k2, (R,), 0, N).astype(jnp.float32)
    x1 = jax.random.uniform(k3, (R,), dtype=jnp.float32) * (img_w * 0.7)
    y1 = jax.random.uniform(k4, (R,), dtype=jnp.float32) * (img_h * 0.7)
    bw = jax.random.uniform(k5, (R,), dtype=jnp.float32) * (img_w * 0.3) + 8.0
    bh = jax.random.uniform(k6, (R,), dtype=jnp.float32) * (img_h * 0.3) + 8.0
    rois = jnp.stack([batch_idx, x1, y1, x1 + bw, y1 + bh], axis=1).astype(jnp.float32)
    offsets = jax.random.normal(k7, (R, 2, OUTPUT_SIZE[0], OUTPUT_SIZE[1]), dtype=jnp.float32)
    return {"input": inp, "rois": rois, "offsets": offsets}


def _bilinear(img, y, x):
    # img: [C, H, W]; y, x: [P] flattened sample coordinates
    C, H, W = img.shape
    valid = (y >= -1.0) & (y <= H) & (x >= -1.0) & (x <= W)
    y = jnp.maximum(y, 0.0)
    x = jnp.maximum(x, 0.0)
    y_low = jnp.minimum(jnp.floor(y).astype(jnp.int32), H - 1)
    x_low = jnp.minimum(jnp.floor(x).astype(jnp.int32), W - 1)
    y_high = jnp.minimum(y_low + 1, H - 1)
    x_high = jnp.minimum(x_low + 1, W - 1)
    y = jnp.where(y_low >= H - 1, jnp.float32(H - 1), y)
    x = jnp.where(x_low >= W - 1, jnp.float32(W - 1), x)
    ly = y - y_low.astype(y.dtype)
    lx = x - x_low.astype(x.dtype)
    hy = 1.0 - ly
    hx = 1.0 - lx
    flat = img.reshape(C, H * W)
    v = (flat[:, y_low * W + x_low] * (hy * hx)
         + flat[:, y_low * W + x_high] * (hy * lx)
         + flat[:, y_high * W + x_low] * (ly * hx)
         + flat[:, y_high * W + x_high] * (ly * lx))
    return v * valid.astype(img.dtype)


def _def_roi_align(inp, rois, offsets):
    N, C, H, W = inp.shape
    PH, PW = OUTPUT_SIZE
    S = SAMPLING_RATIO
    half = 0.5 if ALIGNED else 0.0

    def per_roi(roi, off_r):
        b = roi[0].astype(jnp.int32)
        img = inp[b]
        rsw = roi[1] * SPATIAL_SCALE - half
        rsh = roi[2] * SPATIAL_SCALE - half
        rew = roi[3] * SPATIAL_SCALE - half
        reh = roi[4] * SPATIAL_SCALE - half
        roi_w = rew - rsw
        roi_h = reh - rsh
        if not ALIGNED:
            roi_w = jnp.maximum(roi_w, 1.0)
            roi_h = jnp.maximum(roi_h, 1.0)
        bin_h = roi_h / PH
        bin_w = roi_w / PW
        ph = jnp.arange(PH, dtype=jnp.float32)
        pw = jnp.arange(PW, dtype=jnp.float32)
        sy = jnp.arange(S, dtype=jnp.float32)
        sx = jnp.arange(S, dtype=jnp.float32)
        ys = rsh + ph[:, None] * bin_h + (sy[None, :] + 0.5) * bin_h / S  # [PH, S]
        xs = rsw + pw[:, None] * bin_w + (sx[None, :] + 0.5) * bin_w / S  # [PW, S]
        dw = off_r[0] * TRANS_STD * roi_w  # [PH, PW] x-offset
        dh = off_r[1] * TRANS_STD * roi_h  # [PH, PW] y-offset
        Y = ys[:, None, :, None] + dh[:, :, None, None]
        X = xs[None, :, None, :] + dw[:, :, None, None]
        Y, X = jnp.broadcast_arrays(Y, X)  # [PH, PW, S, S]
        vals = _bilinear(img, Y.reshape(-1), X.reshape(-1))
        vals = vals.reshape(C, PH, PW, S, S)
        return vals.mean(axis=(3, 4))  # [C, PH, PW]

    return jax.vmap(per_roi)(rois, offsets)


def reference(input, rois, offsets):
    return _def_roi_align(input, rois, offsets)

if __name__ == "__main__":
    import jax
    _d = setup_inputs()
    print(jax.jit(kernel)(*tuple(_d.values())))

</pallas_src>

<mosaic_0001>
#map = affine_map<(d0, d1) -> (0, 0)>
#map1 = affine_map<(d0, d1) -> (0)>
module attributes {stable_mosaic.version = 14 : i64} {
  func.func @sc(%arg0: i32, %arg1: i32, %arg2: memref<30400x128xi32, #tpu.memory_space<hbm>>, %arg3: memref<802816xi32, #tpu.memory_space<hbm>>, %arg4: memref<802816xf32, #tpu.memory_space<hbm>>, %arg5: memref<50176x256xf32, #tpu.memory_space<hbm>>, %arg6: memref<25088xi32, #tpu.memory_space<vmem>>, %arg7: memref<25088xf32, #tpu.memory_space<vmem>>, %arg8: memref<128x128xi32, #tpu.memory_space<vmem>>, %arg9: memref<128x128xi32, #tpu.memory_space<vmem>>, %arg10: memref<8x256xf32, #tpu.memory_space<vmem>>, %arg11: memref<!tpu.dma_semaphore, #tpu.memory_space<semaphore_mem>>, %arg12: memref<!tpu.dma_semaphore, #tpu.memory_space<semaphore_mem>>) attributes {dimension_semantics = [#tpu.dimension_semantics<core_parallel>, #tpu.dimension_semantics<subcore_parallel>], iteration_bounds = array<i64: 2, 16>, scalar_prefetch = 0 : i64, scratch_operands = 7 : i64, tpu.core_type = #tpu.core_type<sc_vector_subcore>, window_params = [{transform_indices = #map}, {transform_indices = #map1}, {transform_indices = #map1}, {transform_indices = #map}]} {
    %mul3A = arith.constant 2 : i32
    %mul3A_0 = arith.muli %arg1, %mul3A : i32
    %add3A = arith.addi %mul3A_0, %arg0 : i32
    %mul3A_1 = arith.constant 25088 : i32
    %mul3A_2 = arith.muli %add3A, %mul3A_1 : i32
    "tpu.region"() ({
      %run_scoped3A = tpu.sem_alloc : memref<!tpu.dma_semaphore, #tpu.memory_space<semaphore_mem>>
      %dma_start3A_18 = tpu.memref_slice %arg3[%mul3A_2] : memref<802816xi32, #tpu.memory_space<hbm>> -> memref<25088xi32, #tpu.memory_space<hbm>>
      %dma_start3A_19 = tpu.memref_slice %arg3[%mul3A_2] : memref<802816xi32, #tpu.memory_space<hbm>> -> memref<25088xi32, #tpu.memory_space<hbm>>
      tpu.enqueue_dma source(%dma_start3A_19 : memref<25088xi32, #tpu.memory_space<hbm>>) target(%arg6 : memref<25088xi32, #tpu.memory_space<vmem>>) target_semaphore(%run_scoped3A : memref<!tpu.dma_semaphore, #tpu.memory_space<semaphore_mem>>)
      %dma_wait3A = tpu.memref_slice %arg3[%mul3A_2] : memref<802816xi32, #tpu.memory_space<hbm>> -> memref<25088xi32, #tpu.memory_space<hbm>>
      %dma_wait3A_20 = tpu.memref_slice %arg3[%mul3A_2] : memref<802816xi32, #tpu.memory_space<hbm>> -> memref<25088xi32, #tpu.memory_space<hbm>>
      tpu.wait_dma2 semaphore(%run_scoped3A : memref<!tpu.dma_semaphore, #tpu.memory_space<semaphore_mem>>) src(%dma_wait3A_20 : memref<25088xi32, #tpu.memory_space<hbm>>) dst(%arg6 : memref<25088xi32, #tpu.memory_space<vmem>>)
      tpu.yield
    }) : () -> ()
    "tpu.region"() ({
      %run_scoped3A = tpu.sem_alloc : memref<!tpu.dma_semaphore, #tpu.memory_space<semaphore_mem>>
      %dma_start3A_18 = tpu.memref_slice %arg4[%mul3A_2] : memref<802816xf32, #tpu.memory_space<hbm>> -> memref<25088xf32, #tpu.memory_space<hbm>>
      %dma_start3A_19 = tpu.memref_slice %arg4[%mul3A_2] : memref<802816xf32, #tpu.memory_space<hbm>> -> memref<25088xf32, #tpu.memory_space<hbm>>
      tpu.enqueue_dma source(%dma_start3A_19 : memref<25088xf32, #tpu.memory_space<hbm>>) target(%arg7 : memref<25088xf32, #tpu.memory_space<vmem>>) target_semaphore(%run_scoped3A : memref<!tpu.dma_semaphore, #tpu.memory_space<semaphore_mem>>)
      %dma_wait3A = tpu.memref_slice %arg4[%mul3A_2] : memref<802816xf32, #tpu.memory_space<hbm>> -> memref<25088xf32, #tpu.memory_space<hbm>>
      %dma_wait3A_20 = tpu.memref_slice %arg4[%mul3A_2] : memref<802816xf32, #tpu.memory_space<hbm>> -> memref<25088xf32, #tpu.memory_space<hbm>>
      tpu.wait_dma2 semaphore(%run_scoped3A : memref<!tpu.dma_semaphore, #tpu.memory_space<semaphore_mem>>) src(%dma_wait3A_20 : memref<25088xf32, #tpu.memory_space<hbm>>) dst(%arg7 : memref<25088xf32, #tpu.memory_space<vmem>>)
      tpu.yield
    }) : () -> ()
    %multiple_of3A = arith.constant 0 : i32
    %multiple_of3A_3 = tpu.assume_multiple %multiple_of3A, 128 : i32
    %dma_start3A = tpu.memref_slice %arg6[%multiple_of3A_3] : memref<25088xi32, #tpu.memory_space<vmem>> -> memref<128xi32, #tpu.memory_space<vmem>>
    %dma_start3A_4 = arith.constant 0 : i32
    %dma_start3A_5 = arith.constant 0 : i32
    %dma_start3A_6 = tpu.memref_slice %arg2[%dma_start3A_4, %dma_start3A_5] : memref<30400x128xi32, #tpu.memory_space<hbm>> -> memref<30400x128xi32, #tpu.memory_space<hbm>>
    tpu.enqueue_indirect_dma source(%dma_start3A_6 : memref<30400x128xi32, #tpu.memory_space<hbm>>) target(%arg8 : memref<128x128xi32, #tpu.memory_space<vmem>>) offsets(%dma_start3A : memref<128xi32, #tpu.memory_space<vmem>>) semaphore(%arg11 : memref<!tpu.dma_semaphore, #tpu.memory_space<semaphore_mem>>)
    %multiple_of3A_7 = arith.constant 128 : i32
    %multiple_of3A_8 = tpu.assume_multiple %multiple_of3A_7, 128 : i32
    %dma_start3A_9 = tpu.memref_slice %arg6[%multiple_of3A_8] : memref<25088xi32, #tpu.memory_space<vmem>> -> memref<128xi32, #tpu.memory_space<vmem>>
    %dma_start3A_10 = arith.constant 0 : i32
    %dma_start3A_11 = arith.constant 0 : i32
    %dma_start3A_12 = tpu.memref_slice %arg2[%dma_start3A_10, %dma_start3A_11] : memref<30400x128xi32, #tpu.memory_space<hbm>> -> memref<30400x128xi32, #tpu.memory_space<hbm>>
    tpu.enqueue_indirect_dma source(%dma_start3A_12 : memref<30400x128xi32, #tpu.memory_space<hbm>>) target(%arg9 : memref<128x128xi32, #tpu.memory_space<vmem>>) offsets(%dma_start3A_9 : memref<128xi32, #tpu.memory_space<vmem>>) semaphore(%arg12 : memref<!tpu.dma_semaphore, #tpu.memory_space<semaphore_mem>>)
    %scan3A = arith.constant 0 : i32
    %scan3A_13 = arith.constant 0 : i32
    %scan3A_14 = arith.constant 98 : i32
    %scan3A_15 = arith.addi %scan3A_13, %scan3A_14 : i32
    %scan3A_16 = arith.constant 1 : i32
    scf.for %scan3A_18 = %scan3A_13 to %scan3A_15 step %scan3A_16  : i32 {
      %mul3A_19 = arith.constant 2 : i32
      %mul3A_20 = arith.muli %scan3A_18, %mul3A_19 : i32
      %add3A_21 = arith.constant 0 : i32
      %add3A_22 = arith.addi %mul3A_20, %add3A_21 : i32
      %dma_wait3A = arith.constant 0 : i32
      %dma_wait3A_23 = tpu.memref_slice %arg6[%dma_wait3A] : memref<25088xi32, #tpu.memory_space<vmem>> -> memref<128xi32, #tpu.memory_space<vmem>>
      %dma_wait3A_24 = arith.constant 0 : i32
      %dma_wait3A_25 = arith.constant 0 : i32
      %dma_wait3A_26 = tpu.memref_slice %arg2[%dma_wait3A_24, %dma_wait3A_25] : memref<30400x128xi32, #tpu.memory_space<hbm>> -> memref<30400x128xi32, #tpu.memory_space<hbm>>
      tpu.wait_indirect_dma semaphore(%arg11 : memref<!tpu.dma_semaphore, #tpu.memory_space<semaphore_mem>>) src(%dma_wait3A_26 : memref<30400x128xi32, #tpu.memory_space<hbm>>) dst(%arg8 : memref<128x128xi32, #tpu.memory_space<vmem>>)
      %parallel_loop3A = arith.constant 0 : i32
      %parallel_loop3A_27 = arith.constant 8 : i32
      %parallel_loop3A_28 = arith.constant 1 : i32
      scf.for %parallel_loop3A_62 = %parallel_loop3A to %parallel_loop3A_27 step %parallel_loop3A_28  : i32 {
        %parallel_loop3A_63 = arith.constant 8 : i32
        %parallel_loop3A_64 = arith.muli %add3A_22, %parallel_loop3A_63 : i32
        %parallel_loop3A_65 = arith.addi %parallel_loop3A_64, %parallel_loop3A_62 : i32
        %parallel_loop3A_66 = arith.constant 16 : i32
        %parallel_loop3A_67 = arith.muli %parallel_loop3A_65, %parallel_loop3A_66 : i32
        %parallel_loop3A_68 = tpu.assume_multiple %parallel_loop3A_67, 16 : i32
        %parallel_loop3A_69 = arith.index_cast %parallel_loop3A_68 : i32 to index
        %parallel_loop3A_70 = tpu.vector_load %arg7[%parallel_loop3A_69] {strides = array<i32>} : memref<25088xf32, #tpu.memory_space<vmem>>, vector<16xf32>,
        %parallel_loop3A_71 = vector.shape_cast %parallel_loop3A_70 : vector<16xf32> to vector<16xf32>
        %parallel_loop3A_72 = arith.constant 0 : i32
        %parallel_loop3A_73 = vector.broadcast %parallel_loop3A_72 : i32 to vector<16xi32>
        %parallel_loop3A_74 = vector.shape_cast %parallel_loop3A_73 : vector<16xi32> to vector<16x1xi32>
        %parallel_loop3A_75 = vector.shape_cast %parallel_loop3A_74 : vector<16x1xi32> to vector<16xi32>
        %parallel_loop3A_76 = tpu.dynamic_gather %parallel_loop3A_71[%parallel_loop3A_75] in [0] : vector<16xf32>, vector<16xi32> -> vector<16xf32>
        %parallel_loop3A_77 = arith.constant 1 : i32
        %parallel_loop3A_78 = vector.broadcast %parallel_loop3A_77 : i32 to vector<16xi32>
        %parallel_loop3A_79 = vector.shape_cast %parallel_loop3A_78 : vector<16xi32> to vector<16x1xi32>
        %parallel_loop3A_80 = vector.shape_cast %parallel_loop3A_79 : vector<16x1xi32> to vector<16xi32>
        %parallel_loop3A_81 = tpu.dynamic_gather %parallel_loop3A_71[%parallel_loop3A_80] in [0] : vector<16xf32>, vector<16xi32> -> vector<16xf32>
        %parallel_loop3A_82 = arith.constant 2 : i32
        %parallel_loop3A_83 = vector.broadcast %parallel_loop3A_82 : i32 to vector<16xi32>
        %parallel_loop3A_84 = vector.shape_cast %parallel_loop3A_83 : vector<16xi32> to vector<16x1xi32>
        %parallel_loop3A_85 = vector.shape_cast %parallel_loop3A_84 : vector<16x1xi32> to vector<16xi32>
        %parallel_loop3A_86 = tpu.dynamic_gather %parallel_loop3A_71[%parallel_loop3A_85] in [0] : vector<16xf32>, vector<16xi32> -> vector<16xf32>
        %parallel_loop3A_87 = arith.constant 3 : i32
        %parallel_loop3A_88 = vector.broadcast %parallel_loop3A_87 : i32 to vector<16xi32>
        %parallel_loop3A_89 = vector.shape_cast %parallel_loop3A_88 : vector<16xi32> to vector<16x1xi32>
        %parallel_loop3A_90 = vector.shape_cast %parallel_loop3A_89 : vector<16x1xi32> to vector<16xi32>
        %parallel_loop3A_91 = tpu.dynamic_gather %parallel_loop3A_71[%parallel_loop3A_90] in [0] : vector<16xf32>, vector<16xi32> -> vector<16xf32>
        %parallel_loop3A_92 = arith.constant 4 : i32
        %parallel_loop3A_93 = vector.broadcast %parallel_loop3A_92 : i32 to vector<16xi32>
        %parallel_loop3A_94 = vector.shape_cast %parallel_loop3A_93 : vector<16xi32> to vector<16x1xi32>
        %parallel_loop3A_95 = vector.shape_cast %parallel_loop3A_94 : vector<16x1xi32> to vector<16xi32>
        %parallel_loop3A_96 = tpu.dynamic_gather %parallel_loop3A_71[%parallel_loop3A_95] in [0] : vector<16xf32>, vector<16xi32> -> vector<16xf32>
        %parallel_loop3A_97 = arith.constant 5 : i32
        %parallel_loop3A_98 = vector.broadcast %parallel_loop3A_97 : i32 to vector<16xi32>
        %parallel_loop3A_99 = vector.shape_cast %parallel_loop3A_98 : vector<16xi32> to vector<16x1xi32>
        %parallel_loop3A_100 = vector.shape_cast %parallel_loop3A_99 : vector<16x1xi32> to vector<16xi32>
        %parallel_loop3A_101 = tpu.dynamic_gather %parallel_loop3A_71[%parallel_loop3A_100] in [0] : vector<16xf32>, vector<16xi32> -> vector<16xf32>
        %parallel_loop3A_102 = arith.constant 6 : i32
        %parallel_loop3A_103 = vector.broadcast %parallel_loop3A_102 : i32 to vector<16xi32>
        %parallel_loop3A_104 = vector.shape_cast %parallel_loop3A_103 : vector<16xi32> to vector<16x1xi32>
        %parallel_loop3A_105 = vector.shape_cast %parallel_loop3A_104 : vector<16x1xi32> to vector<16xi32>
        %parallel_loop3A_106 = tpu.dynamic_gather %parallel_loop3A_71[%parallel_loop3A_105] in [0] : vector<16xf32>, vector<16xi32> -> vector<16xf32>
        %parallel_loop3A_107 = arith.constant 7 : i32
        %parallel_loop3A_108 = vector.broadcast %parallel_loop3A_107 : i32 to vector<16xi32>
        %parallel_loop3A_109 = vector.shape_cast %parallel_loop3A_108 : vector<16xi32> to vector<16x1xi32>
        %parallel_loop3A_110 = vector.shape_cast %parallel_loop3A_109 : vector<16x1xi32> to vector<16xi32>
        %parallel_loop3A_111 = tpu.dynamic_gather %parallel_loop3A_71[%parallel_loop3A_110] in [0] : vector<16xf32>, vector<16xi32> -> vector<16xf32>
        %parallel_loop3A_112 = arith.constant 8 : i32
        %parallel_loop3A_113 = vector.broadcast %parallel_loop3A_112 : i32 to vector<16xi32>
        %parallel_loop3A_114 = vector.shape_cast %parallel_loop3A_113 : vector<16xi32> to vector<16x1xi32>
        %parallel_loop3A_115 = vector.shape_cast %parallel_loop3A_114 : vector<16x1xi32> to vector<16xi32>
        %parallel_loop3A_116 = tpu.dynamic_gather %parallel_loop3A_71[%parallel_loop3A_115] in [0] : vector<16xf32>, vector<16xi32> -> vector<16xf32>
        %parallel_loop3A_117 = arith.constant 9 : i32
        %parallel_loop3A_118 = vector.broadcast %parallel_loop3A_117 : i32 to vector<16xi32>
        %parallel_loop3A_119 = vector.shape_cast %parallel_loop3A_118 : vector<16xi32> to vector<16x1xi32>
        %parallel_loop3A_120 = vector.shape_cast %parallel_loop3A_119 : vector<16x1xi32> to vector<16xi32>
        %parallel_loop3A_121 = tpu.dynamic_gather %parallel_loop3A_71[%parallel_loop3A_120] in [0] : vector<16xf32>, vector<16xi32> -> vector<16xf32>
        %parallel_loop3A_122 = arith.constant 10 : i32
        %parallel_loop3A_123 = vector.broadcast %parallel_loop3A_122 : i32 to vector<16xi32>
        %parallel_loop3A_124 = vector.shape_cast %parallel_loop3A_123 : vector<16xi32> to vector<16x1xi32>
        %parallel_loop3A_125 = vector.shape_cast %parallel_loop3A_124 : vector<16x1xi32> to vector<16xi32>
        %parallel_loop3A_126 = tpu.dynamic_gather %parallel_loop3A_71[%parallel_loop3A_125] in [0] : vector<16xf32>, vector<16xi32> -> vector<16xf32>
        %parallel_loop3A_127 = arith.constant 11 : i32
        %parallel_loop3A_128 = vector.broadcast %parallel_loop3A_127 : i32 to vector<16xi32>
        %parallel_loop3A_129 = vector.shape_cast %parallel_loop3A_128 : vector<16xi32> to vector<16x1xi32>
        %parallel_loop3A_130 = vector.shape_cast %parallel_loop3A_129 : vector<16x1xi32> to vector<16xi32>
        %parallel_loop3A_131 = tpu.dynamic_gather %parallel_loop3A_71[%parallel_loop3A_130] in [0] : vector<16xf32>, vector<16xi32> -> vector<16xf32>
        %parallel_loop3A_132 = arith.constant 12 : i32
        %parallel_loop3A_133 = vector.broadcast %parallel_loop3A_132 : i32 to vector<16xi32>
        %parallel_loop3A_134 = vector.shape_cast %parallel_loop3A_133 : vector<16xi32> to vector<16x1xi32>
        %parallel_loop3A_135 = vector.shape_cast %parallel_loop3A_134 : vector<16x1xi32> to vector<16xi32>
        %parallel_loop3A_136 = tpu.dynamic_gather %parallel_loop3A_71[%parallel_loop3A_135] in [0] : vector<16xf32>, vector<16xi32> -> vector<16xf32>
        %parallel_loop3A_137 = arith.constant 13 : i32
        %parallel_loop3A_138 = vector.broadcast %parallel_loop3A_137 : i32 to vector<16xi32>
        %parallel_loop3A_139 = vector.shape_cast %parallel_loop3A_138 : vector<16xi32> to vector<16x1xi32>
        %parallel_loop3A_140 = vector.shape_cast %parallel_loop3A_139 : vector<16x1xi32> to vector<16xi32>
        %parallel_loop3A_141 = tpu.dynamic_gather %parallel_loop3A_71[%parallel_loop3A_140] in [0] : vector<16xf32>, vector<16xi32> -> vector<16xf32>
        %parallel_loop3A_142 = arith.constant 14 : i32
        %parallel_loop3A_143 = vector.broadcast %parallel_loop3A_142 : i32 to vector<16xi32>
        %parallel_loop3A_144 = vector.shape_cast %parallel_loop3A_143 : vector<16xi32> to vector<16x1xi32>
        %parallel_loop3A_145 = vector.shape_cast %parallel_loop3A_144 : vector<16x1xi32> to vector<16xi32>
        %parallel_loop3A_146 = tpu.dynamic_gather %parallel_loop3A_71[%parallel_loop3A_145] in [0] : vector<16xf32>, vector<16xi32> -> vector<16xf32>
        %parallel_loop3A_147 = arith.constant 15 : i32
        %parallel_loop3A_148 = vector.broadcast %parallel_loop3A_147 : i32 to vector<16xi32>
        %parallel_loop3A_149 = vector.shape_cast %parallel_loop3A_148 : vector<16xi32> to vector<16x1xi32>
        %parallel_loop3A_150 = vector.shape_cast %parallel_loop3A_149 : vector<16x1xi32> to vector<16xi32>
        %parallel_loop3A_151 = tpu.dynamic_gather %parallel_loop3A_71[%parallel_loop3A_150] in [0] : vector<16xf32>, vector<16xi32> -> vector<16xf32>
        %parallel_loop3A_152 = arith.constant 16 : i32
        %parallel_loop3A_153 = arith.muli %parallel_loop3A_62, %parallel_loop3A_152 : i32
        %parallel_loop3A_154 = tpu.iota {dimensions = array<i32: 0>} : vector<16xi32>
        %parallel_loop3A_155 = arith.constant 1 : i32
        %parallel_loop3A_156 = vector.broadcast %parallel_loop3A_155 : i32 to vector<16xi32>
        %parallel_loop3A_157 = arith.shrsi %parallel_loop3A_154, %parallel_loop3A_156 : vector<16xi32>
        %parallel_loop3A_158 = arith.constant 8 : i32
        %parallel_loop3A_159 = vector.broadcast %parallel_loop3A_158 : i32 to vector<16xi32>
        %parallel_loop3A_160 = arith.addi %parallel_loop3A_157, %parallel_loop3A_159 : vector<16xi32>
        %parallel_loop3A_161 = arith.constant 1 : i32
        %parallel_loop3A_162 = vector.broadcast %parallel_loop3A_161 : i32 to vector<16xi32>
        %parallel_loop3A_163 = arith.andi %parallel_loop3A_154, %parallel_loop3A_162 : vector<16xi32>
        %parallel_loop3A_164 = arith.constant 0 : i32
        %parallel_loop3A_165 = vector.broadcast %parallel_loop3A_164 : i32 to vector<16xi32>
        %parallel_loop3A_166 = arith.cmpi eq, %parallel_loop3A_163, %parallel_loop3A_165 : vector<16xi32>
        %parallel_loop3A_167 = arith.constant 0 : i32
        %parallel_loop3A_168 = arith.constant 8 : i32
        %parallel_loop3A_169 = arith.constant 1 : i32
        scf.for %parallel_loop3A_170 = %parallel_loop3A_167 to %parallel_loop3A_168 step %parallel_loop3A_169  : i32 {
          %parallel_loop3A_171 = arith.constant 16 : i32
          %parallel_loop3A_172 = arith.muli %parallel_loop3A_170, %parallel_loop3A_171 : i32
          %parallel_loop3A_173 = tpu.assume_multiple %parallel_loop3A_172, 16 : i32
          %parallel_loop3A_174 = arith.constant 0 : i32
          %parallel_loop3A_175 = arith.addi %parallel_loop3A_153, %parallel_loop3A_174 : i32
          %parallel_loop3A_176 = arith.index_cast %parallel_loop3A_175 : i32 to index
          %parallel_loop3A_177 = arith.index_cast %parallel_loop3A_173 : i32 to index
          %parallel_loop3A_178 = tpu.vector_load %arg8[%parallel_loop3A_176, %parallel_loop3A_177] {strides = array<i32>} : memref<128x128xi32, #tpu.memory_space<vmem>>, vector<1x16xi32>,
          %parallel_loop3A_179 = vector.shape_cast %parallel_loop3A_178 : vector<1x16xi32> to vector<16xi32>
          %parallel_loop3A_180 = arith.constant 16 : i32
          %parallel_loop3A_181 = vector.broadcast %parallel_loop3A_180 : i32 to vector<16xi32>
          %parallel_loop3A_182 = arith.shli %parallel_loop3A_179, %parallel_loop3A_181 : vector<16xi32>
          %parallel_loop3A_183 = tpu.bitcast %parallel_loop3A_182 : vector<16xi32> -> vector<16xf32>
          %parallel_loop3A_184 = arith.constant -65536 : i32
          %parallel_loop3A_185 = vector.broadcast %parallel_loop3A_184 : i32 to vector<16xi32>
          %parallel_loop3A_186 = arith.andi %parallel_loop3A_179, %parallel_loop3A_185 : vector<16xi32>
          %parallel_loop3A_187 = tpu.bitcast %parallel_loop3A_186 : vector<16xi32> -> vector<16xf32>
          %parallel_loop3A_188 = arith.mulf %parallel_loop3A_76, %parallel_loop3A_183 : vector<16xf32>
          %parallel_loop3A_189 = arith.mulf %parallel_loop3A_76, %parallel_loop3A_187 : vector<16xf32>
          %parallel_loop3A_190 = arith.constant 1 : i32
          %parallel_loop3A_191 = arith.addi %parallel_loop3A_153, %parallel_loop3A_190 : i32
          %parallel_loop3A_192 = arith.index_cast %parallel_loop3A_191 : i32 to index
          %parallel_loop3A_193 = arith.index_cast %parallel_loop3A_173 : i32 to index
          %parallel_loop3A_194 = tpu.vector_load %arg8[%parallel_loop3A_192, %parallel_loop3A_193] {strides = array<i32>} : memref<128x128xi32, #tpu.memory_space<vmem>>, vector<1x16xi32>,
          %parallel_loop3A_195 = vector.shape_cast %parallel_loop3A_194 : vector<1x16xi32> to vector<16xi32>
          %parallel_loop3A_196 = arith.constant 16 : i32
          %parallel_loop3A_197 = vector.broadcast %parallel_loop3A_196 : i32 to vector<16xi32>
          %parallel_loop3A_198 = arith.shli %parallel_loop3A_195, %parallel_loop3A_197 : vector<16xi32>
          %parallel_loop3A_199 = tpu.bitcast %parallel_loop3A_198 : vector<16xi32> -> vector<16xf32>
          %parallel_loop3A_200 = arith.constant -65536 : i32
          %parallel_loop3A_201 = vector.broadcast %parallel_loop3A_200 : i32 to vector<16xi32>
          %parallel_loop3A_202 = arith.andi %parallel_loop3A_195, %parallel_loop3A_201 : vector<16xi32>
          %parallel_loop3A_203 = tpu.bitcast %parallel_loop3A_202 : vector<16xi32> -> vector<16xf32>
          %parallel_loop3A_204 = arith.mulf %parallel_loop3A_81, %parallel_loop3A_199 : vector<16xf32>
          %parallel_loop3A_205 = arith.mulf %parallel_loop3A_81, %parallel_loop3A_203 : vector<16xf32>
          %parallel_loop3A_206 = arith.constant 2 : i32
          %parallel_loop3A_207 = arith.addi %parallel_loop3A_153, %parallel_loop3A_206 : i32
          %parallel_loop3A_208 = arith.index_cast %parallel_loop3A_207 : i32 to index
          %parallel_loop3A_209 = arith.index_cast %parallel_loop3A_173 : i32 to index
          %parallel_loop3A_210 = tpu.vector_load %arg8[%parallel_loop3A_208, %parallel_loop3A_209] {strides = array<i32>} : memref<128x128xi32, #tpu.memory_space<vmem>>, vector<1x16xi32>,
          %parallel_loop3A_211 = vector.shape_cast %parallel_loop3A_210 : vector<1x16xi32> to vector<16xi32>
          %parallel_loop3A_212 = arith.constant 16 : i32
          %parallel_loop3A_213 = vector.broadcast %parallel_loop3A_212 : i32 to vector<16xi32>
          %parallel_loop3A_214 = arith.shli %parallel_loop3A_211, %parallel_loop3A_213 : vector<16xi32>
          %parallel_loop3A_215 = tpu.bitcast %parallel_loop3A_214 : vector<16xi32> -> vector<16xf32>
          %parallel_loop3A_216 = arith.constant -65536 : i32
          %parallel_loop3A_217 = vector.broadcast %parallel_loop3A_216 : i32 to vector<16xi32>
          %parallel_loop3A_218 = arith.andi %parallel_loop3A_211, %parallel_loop3A_217 : vector<16xi32>
          %parallel_loop3A_219 = tpu.bitcast %parallel_loop3A_218 : vector<16xi32> -> vector<16xf32>
          %parallel_loop3A_220 = arith.mulf %parallel_loop3A_86, %parallel_loop3A_215 : vector<16xf32>
          %parallel_loop3A_221 = arith.mulf %parallel_loop3A_86, %parallel_loop3A_219 : vector<16xf32>
          %parallel_loop3A_222 = arith.constant 3 : i32
          %parallel_loop3A_223 = arith.addi %parallel_loop3A_153, %parallel_loop3A_222 : i32
          %parallel_loop3A_224 = arith.index_cast %parallel_loop3A_223 : i32 to index
          %parallel_loop3A_225 = arith.index_cast %parallel_loop3A_173 : i32 to index
          %parallel_loop3A_226 = tpu.vector_load %arg8[%parallel_loop3A_224, %parallel_loop3A_225] {strides = array<i32>} : memref<128x128xi32, #tpu.memory_space<vmem>>, vector<1x16xi32>,
          %parallel_loop3A_227 = vector.shape_cast %parallel_loop3A_226 : vector<1x16xi32> to vector<16xi32>
          %parallel_loop3A_228 = arith.constant 16 : i32
          %parallel_loop3A_229 = vector.broadcast %parallel_loop3A_228 : i32 to vector<16xi32>
          %parallel_loop3A_230 = arith.shli %parallel_loop3A_227, %parallel_loop3A_229 : vector<16xi32>
          %parallel_loop3A_231 = tpu.bitcast %parallel_loop3A_230 : vector<16xi32> -> vector<16xf32>
          %parallel_loop3A_232 = arith.constant -65536 : i32
          %parallel_loop3A_233 = vector.broadcast %parallel_loop3A_232 : i32 to vector<16xi32>
          %parallel_loop3A_234 = arith.andi %parallel_loop3A_227, %parallel_loop3A_233 : vector<16xi32>
          %parallel_loop3A_235 = tpu.bitcast %parallel_loop3A_234 : vector<16xi32> -> vector<16xf32>
          %parallel_loop3A_236 = arith.mulf %parallel_loop3A_91, %parallel_loop3A_231 : vector<16xf32>
          %parallel_loop3A_237 = arith.mulf %parallel_loop3A_91, %parallel_loop3A_235 : vector<16xf32>
          %parallel_loop3A_238 = arith.constant 4 : i32
          %parallel_loop3A_239 = arith.addi %parallel_loop3A_153, %parallel_loop3A_238 : i32
          %parallel_loop3A_240 = arith.index_cast %parallel_loop3A_239 : i32 to index
          %parallel_loop3A_241 = arith.index_cast %parallel_loop3A_173 : i32 to index
          %parallel_loop3A_242 = tpu.vector_load %arg8[%parallel_loop3A_240, %parallel_loop3A_241] {strides = array<i32>} : memref<128x128xi32, #tpu.memory_space<vmem>>, vector<1x16xi32>,
          %parallel_loop3A_243 = vector.shape_cast %parallel_loop3A_242 : vector<1x16xi32> to vector<16xi32>
          %parallel_loop3A_244 = arith.constant 16 : i32
          %parallel_loop3A_245 = vector.broadcast %parallel_loop3A_244 : i32 to vector<16xi32>
          %parallel_loop3A_246 = arith.shli %parallel_loop3A_243, %parallel_loop3A_245 : vector<16xi32>
          %parallel_loop3A_247 = tpu.bitcast %parallel_loop3A_246 : vector<16xi32> -> vector<16xf32>
          %parallel_loop3A_248 = arith.constant -65536 : i32
          %parallel_loop3A_249 = vector.broadcast %parallel_loop3A_248 : i32 to vector<16xi32>
          %parallel_loop3A_250 = arith.andi %parallel_loop3A_243, %parallel_loop3A_249 : vector<16xi32>
          %parallel_loop3A_251 = tpu.bitcast %parallel_loop3A_250 : vector<16xi32> -> vector<16xf32>
          %parallel_loop3A_252 = arith.mulf %parallel_loop3A_96, %parallel_loop3A_247 : vector<16xf32>
          %parallel_loop3A_253 = arith.mulf %parallel_loop3A_96, %parallel_loop3A_251 : vector<16xf32>
          %parallel_loop3A_254 = arith.constant 5 : i32
          %parallel_loop3A_255 = arith.addi %parallel_loop3A_153, %parallel_loop3A_254 : i32
          %parallel_loop3A_256 = arith.index_cast %parallel_loop3A_255 : i32 to index
          %parallel_loop3A_257 = arith.index_cast %parallel_loop3A_173 : i32 to index
          %parallel_loop3A_258 = tpu.vector_load %arg8[%parallel_loop3A_256, %parallel_loop3A_257] {strides = array<i32>} : memref<128x128xi32, #tpu.memory_space<vmem>>, vector<1x16xi32>,
          %parallel_loop3A_259 = vector.shape_cast %parallel_loop3A_258 : vector<1x16xi32> to vector<16xi32>
          %parallel_loop3A_260 = arith.constant 16 : i32
          %parallel_loop3A_261 = vector.broadcast %parallel_loop3A_260 : i32 to vector<16xi32>
          %parallel_loop3A_262 = arith.shli %parallel_loop3A_259, %parallel_loop3A_261 : vector<16xi32>
          %parallel_loop3A_263 = tpu.bitcast %parallel_loop3A_262 : vector<16xi32> -> vector<16xf32>
          %parallel_loop3A_264 = arith.constant -65536 : i32
          %parallel_loop3A_265 = vector.broadcast %parallel_loop3A_264 : i32 to vector<16xi32>
          %parallel_loop3A_266 = arith.andi %parallel_loop3A_259, %parallel_loop3A_265 : vector<16xi32>
          %parallel_loop3A_267 = tpu.bitcast %parallel_loop3A_266 : vector<16xi32> -> vector<16xf32>
          %parallel_loop3A_268 = arith.mulf %parallel_loop3A_101, %parallel_loop3A_263 : vector<16xf32>
          %parallel_loop3A_269 = arith.mulf %parallel_loop3A_101, %parallel_loop3A_267 : vector<16xf32>
          %parallel_loop3A_270 = arith.constant 6 : i32
          %parallel_loop3A_271 = arith.addi %parallel_loop3A_153, %parallel_loop3A_270 : i32
          %parallel_loop3A_272 = arith.index_cast %parallel_loop3A_271 : i32 to index
          %parallel_loop3A_273 = arith.index_cast %parallel_loop3A_173 : i32 to index
          %parallel_loop3A_274 = tpu.vector_load %arg8[%parallel_loop3A_272, %parallel_loop3A_273] {strides = array<i32>} : memref<128x128xi32, #tpu.memory_space<vmem>>, vector<1x16xi32>,
          %parallel_loop3A_275 = vector.shape_cast %parallel_loop3A_274 : vector<1x16xi32> to vector<16xi32>
          %parallel_loop3A_276 = arith.constant 16 : i32
          %parallel_loop3A_277 = vector.broadcast %parallel_loop3A_276 : i32 to vector<16xi32>
          %parallel_loop3A_278 = arith.shli %parallel_loop3A_275, %parallel_loop3A_277 : vector<16xi32>
          %parallel_loop3A_279 = tpu.bitcast %parallel_loop3A_278 : vector<16xi32> -> vector<16xf32>
          %parallel_loop3A_280 = arith.constant -65536 : i32
          %parallel_loop3A_281 = vector.broadcast %parallel_loop3A_280 : i32 to vector<16xi32>
          %parallel_loop3A_282 = arith.andi %parallel_loop3A_275, %parallel_loop3A_281 : vector<16xi32>
          %parallel_loop3A_283 = tpu.bitcast %parallel_loop3A_282 : vector<16xi32> -> vector<16xf32>
          %parallel_loop3A_284 = arith.mulf %parallel_loop3A_106, %parallel_loop3A_279 : vector<16xf32>
          %parallel_loop3A_285 = arith.mulf %parallel_loop3A_106, %parallel_loop3A_283 : vector<16xf32>
          %parallel_loop3A_286 = arith.constant 7 : i32
          %parallel_loop3A_287 = arith.addi %parallel_loop3A_153, %parallel_loop3A_286 : i32
          %parallel_loop3A_288 = arith.index_cast %parallel_loop3A_287 : i32 to index
          %parallel_loop3A_289 = arith.index_cast %parallel_loop3A_173 : i32 to index
          %parallel_loop3A_290 = tpu.vector_load %arg8[%parallel_loop3A_288, %parallel_loop3A_289] {strides = array<i32>} : memref<128x128xi32, #tpu.memory_space<vmem>>, vector<1x16xi32>,
          %parallel_loop3A_291 = vector.shape_cast %parallel_loop3A_290 : vector<1x16xi32> to vector<16xi32>
          %parallel_loop3A_292 = arith.constant 16 : i32
          %parallel_loop3A_293 = vector.broadcast %parallel_loop3A_292 : i32 to vector<16xi32>
          %parallel_loop3A_294 = arith.shli %parallel_loop3A_291, %parallel_loop3A_293 : vector<16xi32>
          %parallel_loop3A_295 = tpu.bitcast %parallel_loop3A_294 : vector<16xi32> -> vector<16xf32>
          %parallel_loop3A_296 = arith.constant -65536 : i32
          %parallel_loop3A_297 = vector.broadcast %parallel_loop3A_296 : i32 to vector<16xi32>
          %parallel_loop3A_298 = arith.andi %parallel_loop3A_291, %parallel_loop3A_297 : vector<16xi32>
          %parallel_loop3A_299 = tpu.bitcast %parallel_loop3A_298 : vector<16xi32> -> vector<16xf32>
          %parallel_loop3A_300 = arith.mulf %parallel_loop3A_111, %parallel_loop3A_295 : vector<16xf32>
          %parallel_loop3A_301 = arith.mulf %parallel_loop3A_111, %parallel_loop3A_299 : vector<16xf32>
          %parallel_loop3A_302 = arith.constant 8 : i32
          %parallel_loop3A_303 = arith.addi %parallel_loop3A_153, %parallel_loop3A_302 : i32
          %parallel_loop3A_304 = arith.index_cast %parallel_loop3A_303 : i32 to index
          %parallel_loop3A_305 = arith.index_cast %parallel_loop3A_173 : i32 to index
          %parallel_loop3A_306 = tpu.vector_load %arg8[%parallel_loop3A_304, %parallel_loop3A_305] {strides = array<i32>} : memref<128x128xi32, #tpu.memory_space<vmem>>, vector<1x16xi32>,
          %parallel_loop3A_307 = vector.shape_cast %parallel_loop3A_306 : vector<1x16xi32> to vector<16xi32>
          %parallel_loop3A_308 = arith.constant 16 : i32
          %parallel_loop3A_309 = vector.broadcast %parallel_loop3A_308 : i32 to vector<16xi32>
          %parallel_loop3A_310 = arith.shli %parallel_loop3A_307, %parallel_loop3A_309 : vector<16xi32>
          %parallel_loop3A_311 = tpu.bitcast %parallel_loop3A_310 : vector<16xi32> -> vector<16xf32>
          %parallel_loop3A_312 = arith.constant -65536 : i32
          %parallel_loop3A_313 = vector.broadcast %parallel_loop3A_312 : i32 to vector<16xi32>
          %parallel_loop3A_314 = arith.andi %parallel_loop3A_307, %parallel_loop3A_313 : vector<16xi32>
          %parallel_loop3A_315 = tpu.bitcast %parallel_loop3A_314 : vector<16xi32> -> vector<16xf32>
          %parallel_loop3A_316 = arith.mulf %parallel_loop3A_116, %parallel_loop3A_311 : vector<16xf32>
          %parallel_loop3A_317 = arith.mulf %parallel_loop3A_116, %parallel_loop3A_315 : vector<16xf32>
          %parallel_loop3A_318 = arith.constant 9 : i32
          %parallel_loop3A_319 = arith.addi %parallel_loop3A_153, %parallel_loop3A_318 : i32
          %parallel_loop3A_320 = arith.index_cast %parallel_loop3A_319 : i32 to index
          %parallel_loop3A_321 = arith.index_cast %parallel_loop3A_173 : i32 to index
          %parallel_loop3A_322 = tpu.vector_load %arg8[%parallel_loop3A_320, %parallel_loop3A_321] {strides = array<i32>} : memref<128x128xi32, #tpu.memory_space<vmem>>, vector<1x16xi32>,
          %parallel_loop3A_323 = vector.shape_cast %parallel_loop3A_322 : vector<1x16xi32> to vector<16xi32>
          %parallel_loop3A_324 = arith.constant 16 : i32
          %parallel_loop3A_325 = vector.broadcast %parallel_loop3A_324 : i32 to vector<16xi32>
          %parallel_loop3A_326 = arith.shli %parallel_loop3A_323, %parallel_loop3A_325 : vector<16xi32>
          %parallel_loop3A_327 = tpu.bitcast %parallel_loop3A_326 : vector<16xi32> -> vector<16xf32>
          %parallel_loop3A_328 = arith.constant -65536 : i32
          %parallel_loop3A_329 = vector.broadcast %parallel_loop3A_328 : i32 to vector<16xi32>
          %parallel_loop3A_330 = arith.andi %parallel_loop3A_323, %parallel_loop3A_329 : vector<16xi32>
          %parallel_loop3A_331 = tpu.bitcast %parallel_loop3A_330 : vector<16xi32> -> vector<16xf32>
          %parallel_loop3A_332 = arith.mulf %parallel_loop3A_121, %parallel_loop3A_327 : vector<16xf32>
          %parallel_loop3A_333 = arith.mulf %parallel_loop3A_121, %parallel_loop3A_331 : vector<16xf32>
          %parallel_loop3A_334 = arith.constant 10 : i32
          %parallel_loop3A_335 = arith.addi %parallel_loop3A_153, %parallel_loop3A_334 : i32
          %parallel_loop3A_336 = arith.index_cast %parallel_loop3A_335 : i32 to index
          %parallel_loop3A_337 = arith.index_cast %parallel_loop3A_173 : i32 to index
          %parallel_loop3A_338 = tpu.vector_load %arg8[%parallel_loop3A_336, %parallel_loop3A_337] {strides = array<i32>} : memref<128x128xi32, #tpu.memory_space<vmem>>, vector<1x16xi32>,
          %parallel_loop3A_339 = vector.shape_cast %parallel_loop3A_338 : vector<1x16xi32> to vector<16xi32>
          %parallel_loop3A_340 = arith.constant 16 : i32
          %parallel_loop3A_341 = vector.broadcast %parallel_loop3A_340 : i32 to vector<16xi32>
          %parallel_loop3A_342 = arith.shli %parallel_loop3A_339, %parallel_loop3A_341 : vector<16xi32>
          %parallel_loop3A_343 = tpu.bitcast %parallel_loop3A_342 : vector<16xi32> -> vector<16xf32>
          %parallel_loop3A_344 = arith.constant -65536 : i32
          %parallel_loop3A_345 = vector.broadcast %parallel_loop3A_344 : i32 to vector<16xi32>
          %parallel_loop3A_346 = arith.andi %parallel_loop3A_339, %parallel_loop3A_345 : vector<16xi32>
          %parallel_loop3A_347 = tpu.bitcast %parallel_loop3A_346 : vector<16xi32> -> vector<16xf32>
          %parallel_loop3A_348 = arith.mulf %parallel_loop3A_126, %parallel_loop3A_343 : vector<16xf32>
          %parallel_loop3A_349 = arith.mulf %parallel_loop3A_126, %parallel_loop3A_347 : vector<16xf32>
          %parallel_loop3A_350 = arith.constant 11 : i32
          %parallel_loop3A_351 = arith.addi %parallel_loop3A_153, %parallel_loop3A_350 : i32
          %parallel_loop3A_352 = arith.index_cast %parallel_loop3A_351 : i32 to index
          %parallel_loop3A_353 = arith.index_cast %parallel_loop3A_173 : i32 to index
          %parallel_loop3A_354 = tpu.vector_load %arg8[%parallel_loop3A_352, %parallel_loop3A_353] {strides = array<i32>} : memref<128x128xi32, #tpu.memory_space<vmem>>, vector<1x16xi32>,
          %parallel_loop3A_355 = vector.shape_cast %parallel_loop3A_354 : vector<1x16xi32> to vector<16xi32>
          %parallel_loop3A_356 = arith.constant 16 : i32
          %parallel_loop3A_357 = vector.broadcast %parallel_loop3A_356 : i32 to vector<16xi32>
          %parallel_loop3A_358 = arith.shli %parallel_loop3A_355, %parallel_loop3A_357 : vector<16xi32>
          %parallel_loop3A_359 = tpu.bitcast %parallel_loop3A_358 : vector<16xi32> -> vector<16xf32>
          %parallel_loop3A_360 = arith.constant -65536 : i32
          %parallel_loop3A_361 = vector.broadcast %parallel_loop3A_360 : i32 to vector<16xi32>
          %parallel_loop3A_362 = arith.andi %parallel_loop3A_355, %parallel_loop3A_361 : vector<16xi32>
          %parallel_loop3A_363 = tpu.bitcast %parallel_loop3A_362 : vector<16xi32> -> vector<16xf32>
          %parallel_loop3A_364 = arith.mulf %parallel_loop3A_131, %parallel_loop3A_359 : vector<16xf32>
          %parallel_loop3A_365 = arith.mulf %parallel_loop3A_131, %parallel_loop3A_363 : vector<16xf32>
          %parallel_loop3A_366 = arith.constant 12 : i32
          %parallel_loop3A_367 = arith.addi %parallel_loop3A_153, %parallel_loop3A_366 : i32
          %parallel_loop3A_368 = arith.index_cast %parallel_loop3A_367 : i32 to index
          %parallel_loop3A_369 = arith.index_cast %parallel_loop3A_173 : i32 to index
          %parallel_loop3A_370 = tpu.vector_load %arg8[%parallel_loop3A_368, %parallel_loop3A_369] {strides = array<i32>} : memref<128x128xi32, #tpu.memory_space<vmem>>, vector<1x16xi32>,
          %parallel_loop3A_371 = vector.shape_cast %parallel_loop3A_370 : vector<1x16xi32> to vector<16xi32>
          %parallel_loop3A_372 = arith.constant 16 : i32
          %parallel_loop3A_373 = vector.broadcast %parallel_loop3A_372 : i32 to vector<16xi32>
          %parallel_loop3A_374 = arith.shli %parallel_loop3A_371, %parallel_loop3A_373 : vector<16xi32>
          %parallel_loop3A_375 = tpu.bitcast %parallel_loop3A_374 : vector<16xi32> -> vector<16xf32>
          %parallel_loop3A_376 = arith.constant -65536 : i32
          %parallel_loop3A_377 = vector.broadcast %parallel_loop3A_376 : i32 to vector<16xi32>
          %parallel_loop3A_378 = arith.andi %parallel_loop3A_371, %parallel_loop3A_377 : vector<16xi32>
          %parallel_loop3A_379 = tpu.bitcast %parallel_loop3A_378 : vector<16xi32> -> vector<16xf32>
          %parallel_loop3A_380 = arith.mulf %parallel_loop3A_136, %parallel_loop3A_375 : vector<16xf32>
          %parallel_loop3A_381 = arith.mulf %parallel_loop3A_136, %parallel_loop3A_379 : vector<16xf32>
          %parallel_loop3A_382 = arith.constant 13 : i32
          %parallel_loop3A_383 = arith.addi %parallel_loop3A_153, %parallel_loop3A_382 : i32
          %parallel_loop3A_384 = arith.index_cast %parallel_loop3A_383 : i32 to index
          %parallel_loop3A_385 = arith.index_cast %parallel_loop3A_173 : i32 to index
          %parallel_loop3A_386 = tpu.vector_load %arg8[%parallel_loop3A_384, %parallel_loop3A_385] {strides = array<i32>} : memref<128x128xi32, #tpu.memory_space<vmem>>, vector<1x16xi32>,
          %parallel_loop3A_387 = vector.shape_cast %parallel_loop3A_386 : vector<1x16xi32> to vector<16xi32>
          %parallel_loop3A_388 = arith.constant 16 : i32
          %parallel_loop3A_389 = vector.broadcast %parallel_loop3A_388 : i32 to vector<16xi32>
          %parallel_loop3A_390 = arith.shli %parallel_loop3A_387, %parallel_loop3A_389 : vector<16xi32>
          %parallel_loop3A_391 = tpu.bitcast %parallel_loop3A_390 : vector<16xi32> -> vector<16xf32>
          %parallel_loop3A_392 = arith.constant -65536 : i32
          %parallel_loop3A_393 = vector.broadcast %parallel_loop3A_392 : i32 to vector<16xi32>
          %parallel_loop3A_394 = arith.andi %parallel_loop3A_387, %parallel_loop3A_393 : vector<16xi32>
          %parallel_loop3A_395 = tpu.bitcast %parallel_loop3A_394 : vector<16xi32> -> vector<16xf32>
          %parallel_loop3A_396 = arith.mulf %parallel_loop3A_141, %parallel_loop3A_391 : vector<16xf32>
          %parallel_loop3A_397 = arith.mulf %parallel_loop3A_141, %parallel_loop3A_395 : vector<16xf32>
          %parallel_loop3A_398 = arith.constant 14 : i32
          %parallel_loop3A_399 = arith.addi %parallel_loop3A_153, %parallel_loop3A_398 : i32
          %parallel_loop3A_400 = arith.index_cast %parallel_loop3A_399 : i32 to index
          %parallel_loop3A_401 = arith.index_cast %parallel_loop3A_173 : i32 to index
          %parallel_loop3A_402 = tpu.vector_load %arg8[%parallel_loop3A_400, %parallel_loop3A_401] {strides = array<i32>} : memref<128x128xi32, #tpu.memory_space<vmem>>, vector<1x16xi32>,
          %parallel_loop3A_403 = vector.shape_cast %parallel_loop3A_402 : vector<1x16xi32> to vector<16xi32>
          %parallel_loop3A_404 = arith.constant 16 : i32
          %parallel_loop3A_405 = vector.broadcast %parallel_loop3A_404 : i32 to vector<16xi32>
          %parallel_loop3A_406 = arith.shli %parallel_loop3A_403, %parallel_loop3A_405 : vector<16xi32>
          %parallel_loop3A_407 = tpu.bitcast %parallel_loop3A_406 : vector<16xi32> -> vector<16xf32>
          %parallel_loop3A_408 = arith.constant -65536 : i32
          %parallel_loop3A_409 = vector.broadcast %parallel_loop3A_408 : i32 to vector<16xi32>
          %parallel_loop3A_410 = arith.andi %parallel_loop3A_403, %parallel_loop3A_409 : vector<16xi32>
          %parallel_loop3A_411 = tpu.bitcast %parallel_loop3A_410 : vector<16xi32> -> vector<16xf32>
          %parallel_loop3A_412 = arith.mulf %parallel_loop3A_146, %parallel_loop3A_407 : vector<16xf32>
          %parallel_loop3A_413 = arith.mulf %parallel_loop3A_146, %parallel_loop3A_411 : vector<16xf32>
          %parallel_loop3A_414 = arith.constant 15 : i32
          %parallel_loop3A_415 = arith.addi %parallel_loop3A_153, %parallel_loop3A_414 : i32
          %parallel_loop3A_416 = arith.index_cast %parallel_loop3A_415 : i32 to index
          %parallel_loop3A_417 = arith.index_cast %parallel_loop3A_173 : i32 to index
          %parallel_loop3A_418 = tpu.vector_load %arg8[%parallel_loop3A_416, %parallel_loop3A_417] {strides = array<i32>} : memref<128x128xi32, #tpu.memory_space<vmem>>, vector<1x16xi32>,
          %parallel_loop3A_419 = vector.shape_cast %parallel_loop3A_418 : vector<1x16xi32> to vector<16xi32>
          %parallel_loop3A_420 = arith.constant 16 : i32
          %parallel_loop3A_421 = vector.broadcast %parallel_loop3A_420 : i32 to vector<16xi32>
          %parallel_loop3A_422 = arith.shli %parallel_loop3A_419, %parallel_loop3A_421 : vector<16xi32>
          %parallel_loop3A_423 = tpu.bitcast %parallel_loop3A_422 : vector<16xi32> -> vector<16xf32>
          %parallel_loop3A_424 = arith.constant -65536 : i32
          %parallel_loop3A_425 = vector.broadcast %parallel_loop3A_424 : i32 to vector<16xi32>
          %parallel_loop3A_426 = arith.andi %parallel_loop3A_419, %parallel_loop3A_425 : vector<16xi32>
          %parallel_loop3A_427 = tpu.bitcast %parallel_loop3A_426 : vector<16xi32> -> vector<16xf32>
          %parallel_loop3A_428 = arith.mulf %parallel_loop3A_151, %parallel_loop3A_423 : vector<16xf32>
          %parallel_loop3A_429 = arith.mulf %parallel_loop3A_151, %parallel_loop3A_427 : vector<16xf32>
          %parallel_loop3A_430 = arith.addf %parallel_loop3A_188, %parallel_loop3A_204 : vector<16xf32>
          %parallel_loop3A_431 = arith.addf %parallel_loop3A_220, %parallel_loop3A_236 : vector<16xf32>
          %parallel_loop3A_432 = arith.addf %parallel_loop3A_252, %parallel_loop3A_268 : vector<16xf32>
          %parallel_loop3A_433 = arith.addf %parallel_loop3A_284, %parallel_loop3A_300 : vector<16xf32>
          %parallel_loop3A_434 = arith.addf %parallel_loop3A_316, %parallel_loop3A_332 : vector<16xf32>
          %parallel_loop3A_435 = arith.addf %parallel_loop3A_348, %parallel_loop3A_364 : vector<16xf32>
          %parallel_loop3A_436 = arith.addf %parallel_loop3A_380, %parallel_loop3A_396 : vector<16xf32>
          %parallel_loop3A_437 = arith.addf %parallel_loop3A_412, %parallel_loop3A_428 : vector<16xf32>
          %parallel_loop3A_438 = arith.addf %parallel_loop3A_189, %parallel_loop3A_205 : vector<16xf32>
          %parallel_loop3A_439 = arith.addf %parallel_loop3A_221, %parallel_loop3A_237 : vector<16xf32>
          %parallel_loop3A_440 = arith.addf %parallel_loop3A_253, %parallel_loop3A_269 : vector<16xf32>
          %parallel_loop3A_441 = arith.addf %parallel_loop3A_285, %parallel_loop3A_301 : vector<16xf32>
          %parallel_loop3A_442 = arith.addf %parallel_loop3A_317, %parallel_loop3A_333 : vector<16xf32>
          %parallel_loop3A_443 = arith.addf %parallel_loop3A_349, %parallel_loop3A_365 : vector<16xf32>
          %parallel_loop3A_444 = arith.addf %parallel_loop3A_381, %parallel_loop3A_397 : vector<16xf32>
          %parallel_loop3A_445 = arith.addf %parallel_loop3A_413, %parallel_loop3A_429 : vector<16xf32>
          %parallel_loop3A_446 = arith.addf %parallel_loop3A_430, %parallel_loop3A_431 : vector<16xf32>
          %parallel_loop3A_447 = arith.addf %parallel_loop3A_432, %parallel_loop3A_433 : vector<16xf32>
          %parallel_loop3A_448 = arith.addf %parallel_loop3A_434, %parallel_loop3A_435 : vector<16xf32>
          %parallel_loop3A_449 = arith.addf %parallel_loop3A_436, %parallel_loop3A_437 : vector<16xf32>
          %parallel_loop3A_450 = arith.addf %parallel_loop3A_438, %parallel_loop3A_439 : vector<16xf32>
          %parallel_loop3A_451 = arith.addf %parallel_loop3A_440, %parallel_loop3A_441 : vector<16xf32>
          %parallel_loop3A_452 = arith.addf %parallel_loop3A_442, %parallel_loop3A_443 : vector<16xf32>
          %parallel_loop3A_453 = arith.addf %parallel_loop3A_444, %parallel_loop3A_445 : vector<16xf32>
          %parallel_loop3A_454 = arith.addf %parallel_loop3A_446, %parallel_loop3A_447 : vector<16xf32>
          %parallel_loop3A_455 = arith.addf %parallel_loop3A_448, %parallel_loop3A_449 : vector<16xf32>
          %parallel_loop3A_456 = arith.addf %parallel_loop3A_450, %parallel_loop3A_451 : vector<16xf32>
          %parallel_loop3A_457 = arith.addf %parallel_loop3A_452, %parallel_loop3A_453 : vector<16xf32>
          %parallel_loop3A_458 = arith.addf %parallel_loop3A_454, %parallel_loop3A_455 : vector<16xf32>
          %parallel_loop3A_459 = arith.addf %parallel_loop3A_456, %parallel_loop3A_457 : vector<16xf32>
          %parallel_loop3A_460 = vector.shape_cast %parallel_loop3A_157 : vector<16xi32> to vector<16x1xi32>
          %parallel_loop3A_461 = vector.shape_cast %parallel_loop3A_460 : vector<16x1xi32> to vector<16xi32>
          %parallel_loop3A_462 = tpu.dynamic_gather %parallel_loop3A_458[%parallel_loop3A_461] in [0] : vector<16xf32>, vector<16xi32> -> vector<16xf32>
          %parallel_loop3A_463 = vector.shape_cast %parallel_loop3A_157 : vector<16xi32> to vector<16x1xi32>
          %parallel_loop3A_464 = vector.shape_cast %parallel_loop3A_463 : vector<16x1xi32> to vector<16xi32>
          %parallel_loop3A_465 = tpu.dynamic_gather %parallel_loop3A_459[%parallel_loop3A_464] in [0] : vector<16xf32>, vector<16xi32> -> vector<16xf32>
          %parallel_loop3A_466 = arith.select %parallel_loop3A_166, %parallel_loop3A_462, %parallel_loop3A_465 : vector<16xi1>, vector<16xf32>
          %parallel_loop3A_467 = vector.shape_cast %parallel_loop3A_160 : vector<16xi32> to vector<16x1xi32>
          %parallel_loop3A_468 = vector.shape_cast %parallel_loop3A_467 : vector<16x1xi32> to vector<16xi32>
          %parallel_loop3A_469 = tpu.dynamic_gather %parallel_loop3A_458[%parallel_loop3A_468] in [0] : vector<16xf32>, vector<16xi32> -> vector<16xf32>
          %parallel_loop3A_470 = vector.shape_cast %parallel_loop3A_160 : vector<16xi32> to vector<16x1xi32>
          %parallel_loop3A_471 = vector.shape_cast %parallel_loop3A_470 : vector<16x1xi32> to vector<16xi32>
          %parallel_loop3A_472 = tpu.dynamic_gather %parallel_loop3A_459[%parallel_loop3A_471] in [0] : vector<16xf32>, vector<16xi32> -> vector<16xf32>
          %parallel_loop3A_473 = arith.select %parallel_loop3A_166, %parallel_loop3A_469, %parallel_loop3A_472 : vector<16xi1>, vector<16xf32>
          %parallel_loop3A_474 = arith.constant 32 : i32
          %parallel_loop3A_475 = arith.muli %parallel_loop3A_170, %parallel_loop3A_474 : i32
          %parallel_loop3A_476 = tpu.assume_multiple %parallel_loop3A_475, 16 : i32
          %parallel_loop3A_477 = arith.index_cast %parallel_loop3A_62 : i32 to index
          %parallel_loop3A_478 = arith.index_cast %parallel_loop3A_476 : i32 to index
          %parallel_loop3A_479 = tpu.vector_load %arg10[%parallel_loop3A_477, %parallel_loop3A_478] {strides = array<i32>} : memref<8x256xf32, #tpu.memory_space<vmem>>, vector<1x16xf32>,
          %parallel_loop3A_480 = vector.shape_cast %parallel_loop3A_479 : vector<1x16xf32> to vector<16xf32>
          %parallel_loop3A_481 = vector.shape_cast %parallel_loop3A_466 : vector<16xf32> to vector<1x16xf32>
          tpu.vector_store %arg10[%parallel_loop3A_477, %parallel_loop3A_478], %parallel_loop3A_481 {strides = array<i32>} : memref<8x256xf32, #tpu.memory_space<vmem>>, vector<1x16xf32>,
          %parallel_loop3A_482 = arith.constant 32 : i32
          %parallel_loop3A_483 = arith.muli %parallel_loop3A_170, %parallel_loop3A_482 : i32
          %parallel_loop3A_484 = arith.constant 16 : i32
          %parallel_loop3A_485 = arith.addi %parallel_loop3A_483, %parallel_loop3A_484 : i32
          %parallel_loop3A_486 = tpu.assume_multiple %parallel_loop3A_485, 16 : i32
          %parallel_loop3A_487 = arith.index_cast %parallel_loop3A_62 : i32 to index
          %parallel_loop3A_488 = arith.index_cast %parallel_loop3A_486 : i32 to index
          %parallel_loop3A_489 = tpu.vector_load %arg10[%parallel_loop3A_487, %parallel_loop3A_488] {strides = array<i32>} : memref<8x256xf32, #tpu.memory_space<vmem>>, vector<1x16xf32>,
          %parallel_loop3A_490 = vector.shape_cast %parallel_loop3A_489 : vector<1x16xf32> to vector<16xf32>
          %parallel_loop3A_491 = vector.shape_cast %parallel_loop3A_473 : vector<16xf32> to vector<1x16xf32>
          tpu.vector_store %arg10[%parallel_loop3A_487, %parallel_loop3A_488], %parallel_loop3A_491 {strides = array<i32>} : memref<8x256xf32, #tpu.memory_space<vmem>>, vector<1x16xf32>,
        } {sc.loop_unroll_factor = 1 : i64, sc.parallel_access}
      } {sc.loop_unroll_factor = 1 : i64, sc.parallel_access}
      %mul3A_29 = arith.constant 1568 : i32
      %mul3A_30 = arith.muli %add3A, %mul3A_29 : i32
      %mul3A_31 = arith.constant 8 : i32
      %mul3A_32 = arith.muli %add3A_22, %mul3A_31 : i32
      %add3A_33 = arith.addi %mul3A_30, %mul3A_32 : i32
      "tpu.region"() ({
        %run_scoped3A = tpu.sem_alloc : memref<!tpu.dma_semaphore, #tpu.memory_space<semaphore_mem>>
        %dma_start3A_62 = arith.constant 0 : i32
        %dma_start3A_63 = tpu.memref_slice %arg5[%add3A_33, %dma_start3A_62] : memref<50176x256xf32, #tpu.memory_space<hbm>> -> memref<8x256xf32, #tpu.memory_space<hbm>>
        %dma_start3A_64 = arith.constant 0 : i32
        %dma_start3A_65 = tpu.memref_slice %arg5[%add3A_33, %dma_start3A_64] : memref<50176x256xf32, #tpu.memory_space<hbm>> -> memref<8x256xf32, #tpu.memory_space<hbm>>
        tpu.enqueue_dma source(%arg10 : memref<8x256xf32, #tpu.memory_space<vmem>>) target(%dma_start3A_65 : memref<8x256xf32, #tpu.memory_space<hbm>>) target_semaphore(%run_scoped3A : memref<!tpu.dma_semaphore, #tpu.memory_space<semaphore_mem>>)
        %dma_wait3A_66 = arith.constant 0 : i32
        %dma_wait3A_67 = tpu.memref_slice %arg5[%add3A_33, %dma_wait3A_66] : memref<50176x256xf32, #tpu.memory_space<hbm>> -> memref<8x256xf32, #tpu.memory_space<hbm>>
        %dma_wait3A_68 = arith.constant 0 : i32
        %dma_wait3A_69 = tpu.memref_slice %arg5[%add3A_33, %dma_wait3A_68] : memref<50176x256xf32, #tpu.memory_space<hbm>> -> memref<8x256xf32, #tpu.memory_space<hbm>>
        tpu.wait_dma2 semaphore(%run_scoped3A : memref<!tpu.dma_semaphore, #tpu.memory_space<semaphore_mem>>) src(%arg10 : memref<8x256xf32, #tpu.memory_space<vmem>>) dst(%dma_wait3A_69 : memref<8x256xf32, #tpu.memory_space<hbm>>)
        tpu.yield
      }) : () -> ()
      %add3A_34 = arith.constant 2 : i32
      %add3A_35 = arith.addi %add3A_22, %add3A_34 : i32
      %lt3A = arith.constant 196 : i32
      %lt3A_36 = arith.cmpi slt, %add3A_35, %lt3A : i32
      %convert_element_type3A = arith.extui %lt3A_36 : i1 to i32
      %cond3A = arith.constant 0 : i32
      %cond3A_37 = arith.cmpi ne, %convert_element_type3A, %cond3A : i32
      scf.if %cond3A_37 {
        %add3A_62 = arith.constant 2 : i32
        %add3A_63 = arith.addi %add3A_22, %add3A_62 : i32
        %mul3A_64 = arith.constant 128 : i32
        %mul3A_65 = arith.muli %add3A_63, %mul3A_64 : i32
        %multiple_of3A_66 = tpu.assume_multiple %mul3A_65, 128 : i32
        %dma_start3A_67 = tpu.memref_slice %arg6[%multiple_of3A_66] : memref<25088xi32, #tpu.memory_space<vmem>> -> memref<128xi32, #tpu.memory_space<vmem>>
        %dma_start3A_68 = arith.constant 0 : i32
        %dma_start3A_69 = arith.constant 0 : i32
        %dma_start3A_70 = tpu.memref_slice %arg2[%dma_start3A_68, %dma_start3A_69] : memref<30400x128xi32, #tpu.memory_space<hbm>> -> memref<30400x128xi32, #tpu.memory_space<hbm>>
        tpu.enqueue_indirect_dma source(%dma_start3A_70 : memref<30400x128xi32, #tpu.memory_space<hbm>>) target(%arg8 : memref<128x128xi32, #tpu.memory_space<vmem>>) offsets(%dma_start3A_67 : memref<128xi32, #tpu.memory_space<vmem>>) semaphore(%arg11 : memref<!tpu.dma_semaphore, #tpu.memory_space<semaphore_mem>>)
      } else {
      }
      %mul3A_38 = arith.constant 2 : i32
      %mul3A_39 = arith.muli %scan3A_18, %mul3A_38 : i32
      %add3A_40 = arith.constant 1 : i32
      %add3A_41 = arith.addi %mul3A_39, %add3A_40 : i32
      %dma_wait3A_42 = arith.constant 0 : i32
      %dma_wait3A_43 = tpu.memref_slice %arg6[%dma_wait3A_42] : memref<25088xi32, #tpu.memory_space<vmem>> -> memref<128xi32, #tpu.memory_space<vmem>>
      %dma_wait3A_44 = arith.constant 0 : i32
      %dma_wait3A_45 = arith.constant 0 : i32
      %dma_wait3A_46 = tpu.memref_slice %arg2[%dma_wait3A_44, %dma_wait3A_45] : memref<30400x128xi32, #tpu.memory_space<hbm>> -> memref<30400x128xi32, #tpu.memory_space<hbm>>
      tpu.wait_indirect_dma semaphore(%arg12 : memref<!tpu.dma_semaphore, #tpu.memory_space<semaphore_mem>>) src(%dma_wait3A_46 : memref<30400x128xi32, #tpu.memory_space<hbm>>) dst(%arg9 : memref<128x128xi32, #tpu.memory_space<vmem>>)
      %parallel_loop3A_47 = arith.constant 0 : i32
      %parallel_loop3A_48 = arith.constant 8 : i32
      %parallel_loop3A_49 = arith.constant 1 : i32
      scf.for %parallel_loop3A_62 = %parallel_loop3A_47 to %parallel_loop3A_48 step %parallel_loop3A_49  : i32 {
        %parallel_loop3A_63 = arith.constant 8 : i32
        %parallel_loop3A_64 = arith.muli %add3A_41, %parallel_loop3A_63 : i32
        %parallel_loop3A_65 = arith.addi %parallel_loop3A_64, %parallel_loop3A_62 : i32
        %parallel_loop3A_66 = arith.constant 16 : i32
        %parallel_loop3A_67 = arith.muli %parallel_loop3A_65, %parallel_loop3A_66 : i32
        %parallel_loop3A_68 = tpu.assume_multiple %parallel_loop3A_67, 16 : i32
        %parallel_loop3A_69 = arith.index_cast %parallel_loop3A_68 : i32 to index
        %parallel_loop3A_70 = tpu.vector_load %arg7[%parallel_loop3A_69] {strides = array<i32>} : memref<25088xf32, #tpu.memory_space<vmem>>, vector<16xf32>,
        %parallel_loop3A_71 = vector.shape_cast %parallel_loop3A_70 : vector<16xf32> to vector<16xf32>
        %parallel_loop3A_72 = arith.constant 0 : i32
        %parallel_loop3A_73 = vector.broadcast %parallel_loop3A_72 : i32 to vector<16xi32>
        %parallel_loop3A_74 = vector.shape_cast %parallel_loop3A_73 : vector<16xi32> to vector<16x1xi32>
        %parallel_loop3A_75 = vector.shape_cast %parallel_loop3A_74 : vector<16x1xi32> to vector<16xi32>
        %parallel_loop3A_76 = tpu.dynamic_gather %parallel_loop3A_71[%parallel_loop3A_75] in [0] : vector<16xf32>, vector<16xi32> -> vector<16xf32>
        %parallel_loop3A_77 = arith.constant 1 : i32
        %parallel_loop3A_78 = vector.broadcast %parallel_loop3A_77 : i32 to vector<16xi32>
        %parallel_loop3A_79 = vector.shape_cast %parallel_loop3A_78 : vector<16xi32> to vector<16x1xi32>
        %parallel_loop3A_80 = vector.shape_cast %parallel_loop3A_79 : vector<16x1xi32> to vector<16xi32>
        %parallel_loop3A_81 = tpu.dynamic_gather %parallel_loop3A_71[%parallel_loop3A_80] in [0] : vector<16xf32>, vector<16xi32> -> vector<16xf32>
        %parallel_loop3A_82 = arith.constant 2 : i32
        %parallel_loop3A_83 = vector.broadcast %parallel_loop3A_82 : i32 to vector<16xi32>
        %parallel_loop3A_84 = vector.shape_cast %parallel_loop3A_83 : vector<16xi32> to vector<16x1xi32>
        %parallel_loop3A_85 = vector.shape_cast %parallel_loop3A_84 : vector<16x1xi32> to vector<16xi32>
        %parallel_loop3A_86 = tpu.dynamic_gather %parallel_loop3A_71[%parallel_loop3A_85] in [0] : vector<16xf32>, vector<16xi32> -> vector<16xf32>
        %parallel_loop3A_87 = arith.constant 3 : i32
        %parallel_loop3A_88 = vector.broadcast %parallel_loop3A_87 : i32 to vector<16xi32>
        %parallel_loop3A_89 = vector.shape_cast %parallel_loop3A_88 : vector<16xi32> to vector<16x1xi32>
        %parallel_loop3A_90 = vector.shape_cast %parallel_loop3A_89 : vector<16x1xi32> to vector<16xi32>
        %parallel_loop3A_91 = tpu.dynamic_gather %parallel_loop3A_71[%parallel_loop3A_90] in [0] : vector<16xf32>, vector<16xi32> -> vector<16xf32>
        %parallel_loop3A_92 = arith.constant 4 : i32
        %parallel_loop3A_93 = vector.broadcast %parallel_loop3A_92 : i32 to vector<16xi32>
        %parallel_loop3A_94 = vector.shape_cast %parallel_loop3A_93 : vector<16xi32> to vector<16x1xi32>
        %parallel_loop3A_95 = vector.shape_cast %parallel_loop3A_94 : vector<16x1xi32> to vector<16xi32>
        %parallel_loop3A_96 = tpu.dynamic_gather %parallel_loop3A_71[%parallel_loop3A_95] in [0] : vector<16xf32>, vector<16xi32> -> vector<16xf32>
        %parallel_loop3A_97 = arith.constant 5 : i32
        %parallel_loop3A_98 = vector.broadcast %parallel_loop3A_97 : i32 to vector<16xi32>
        %parallel_loop3A_99 = vector.shape_cast %parallel_loop3A_98 : vector<16xi32> to vector<16x1xi32>
        %parallel_loop3A_100 = vector.shape_cast %parallel_loop3A_99 : vector<16x1xi32> to vector<16xi32>
        %parallel_loop3A_101 = tpu.dynamic_gather %parallel_loop3A_71[%parallel_loop3A_100] in [0] : vector<16xf32>, vector<16xi32> -> vector<16xf32>
        %parallel_loop3A_102 = arith.constant 6 : i32
        %parallel_loop3A_103 = vector.broadcast %parallel_loop3A_102 : i32 to vector<16xi32>
        %parallel_loop3A_104 = vector.shape_cast %parallel_loop3A_103 : vector<16xi32> to vector<16x1xi32>
        %parallel_loop3A_105 = vector.shape_cast %parallel_loop3A_104 : vector<16x1xi32> to vector<16xi32>
        %parallel_loop3A_106 = tpu.dynamic_gather %parallel_loop3A_71[%parallel_loop3A_105] in [0] : vector<16xf32>, vector<16xi32> -> vector<16xf32>
        %parallel_loop3A_107 = arith.constant 7 : i32
        %parallel_loop3A_108 = vector.broadcast %parallel_loop3A_107 : i32 to vector<16xi32>
        %parallel_loop3A_109 = vector.shape_cast %parallel_loop3A_108 : vector<16xi32> to vector<16x1xi32>
        %parallel_loop3A_110 = vector.shape_cast %parallel_loop3A_109 : vector<16x1xi32> to vector<16xi32>
        %parallel_loop3A_111 = tpu.dynamic_gather %parallel_loop3A_71[%parallel_loop3A_110] in [0] : vector<16xf32>, vector<16xi32> -> vector<16xf32>
        %parallel_loop3A_112 = arith.constant 8 : i32
        %parallel_loop3A_113 = vector.broadcast %parallel_loop3A_112 : i32 to vector<16xi32>
        %parallel_loop3A_114 = vector.shape_cast %parallel_loop3A_113 : vector<16xi32> to vector<16x1xi32>
        %parallel_loop3A_115 = vector.shape_cast %parallel_loop3A_114 : vector<16x1xi32> to vector<16xi32>
        %parallel_loop3A_116 = tpu.dynamic_gather %parallel_loop3A_71[%parallel_loop3A_115] in [0] : vector<16xf32>, vector<16xi32> -> vector<16xf32>
        %parallel_loop3A_117 = arith.constant 9 : i32
        %parallel_loop3A_118 = vector.broadcast %parallel_loop3A_117 : i32 to vector<16xi32>
        %parallel_loop3A_119 = vector.shape_cast %parallel_loop3A_118 : vector<16xi32> to vector<16x1xi32>
        %parallel_loop3A_120 = vector.shape_cast %parallel_loop3A_119 : vector<16x1xi32> to vector<16xi32>
        %parallel_loop3A_121 = tpu.dynamic_gather %parallel_loop3A_71[%parallel_loop3A_120] in [0] : vector<16xf32>, vector<16xi32> -> vector<16xf32>
        %parallel_loop3A_122 = arith.constant 10 : i32
        %parallel_loop3A_123 = vector.broadcast %parallel_loop3A_122 : i32 to vector<16xi32>
        %parallel_loop3A_124 = vector.shape_cast %parallel_loop3A_123 : vector<16xi32> to vector<16x1xi32>
        %parallel_loop3A_125 = vector.shape_cast %parallel_loop3A_124 : vector<16x1xi32> to vector<16xi32>
        %parallel_loop3A_126 = tpu.dynamic_gather %parallel_loop3A_71[%parallel_loop3A_125] in [0] : vector<16xf32>, vector<16xi32> -> vector<16xf32>
        %parallel_loop3A_127 = arith.constant 11 : i32
        %parallel_loop3A_128 = vector.broadcast %parallel_loop3A_127 : i32 to vector<16xi32>
        %parallel_loop3A_129 = vector.shape_cast %parallel_loop3A_128 : vector<16xi32> to vector<16x1xi32>
        %parallel_loop3A_130 = vector.shape_cast %parallel_loop3A_129 : vector<16x1xi32> to vector<16xi32>
        %parallel_loop3A_131 = tpu.dynamic_gather %parallel_loop3A_71[%parallel_loop3A_130] in [0] : vector<16xf32>, vector<16xi32> -> vector<16xf32>
        %parallel_loop3A_132 = arith.constant 12 : i32
        %parallel_loop3A_133 = vector.broadcast %parallel_loop3A_132 : i32 to vector<16xi32>
        %parallel_loop3A_134 = vector.shape_cast %parallel_loop3A_133 : vector<16xi32> to vector<16x1xi32>
        %parallel_loop3A_135 = vector.shape_cast %parallel_loop3A_134 : vector<16x1xi32> to vector<16xi32>
        %parallel_loop3A_136 = tpu.dynamic_gather %parallel_loop3A_71[%parallel_loop3A_135] in [0] : vector<16xf32>, vector<16xi32> -> vector<16xf32>
        %parallel_loop3A_137 = arith.constant 13 : i32
        %parallel_loop3A_138 = vector.broadcast %parallel_loop3A_137 : i32 to vector<16xi32>
        %parallel_loop3A_139 = vector.shape_cast %parallel_loop3A_138 : vector<16xi32> to vector<16x1xi32>
        %parallel_loop3A_140 = vector.shape_cast %parallel_loop3A_139 : vector<16x1xi32> to vector<16xi32>
        %parallel_loop3A_141 = tpu.dynamic_gather %parallel_loop3A_71[%parallel_loop3A_140] in [0] : vector<16xf32>, vector<16xi32> -> vector<16xf32>
        %parallel_loop3A_142 = arith.constant 14 : i32
        %parallel_loop3A_143 = vector.broadcast %parallel_loop3A_142 : i32 to vector<16xi32>
        %parallel_loop3A_144 = vector.shape_cast %parallel_loop3A_143 : vector<16xi32> to vector<16x1xi32>
        %parallel_loop3A_145 = vector.shape_cast %parallel_loop3A_144 : vector<16x1xi32> to vector<16xi32>
        %parallel_loop3A_146 = tpu.dynamic_gather %parallel_loop3A_71[%parallel_loop3A_145] in [0] : vector<16xf32>, vector<16xi32> -> vector<16xf32>
        %parallel_loop3A_147 = arith.constant 15 : i32
        %parallel_loop3A_148 = vector.broadcast %parallel_loop3A_147 : i32 to vector<16xi32>
        %parallel_loop3A_149 = vector.shape_cast %parallel_loop3A_148 : vector<16xi32> to vector<16x1xi32>
        %parallel_loop3A_150 = vector.shape_cast %parallel_loop3A_149 : vector<16x1xi32> to vector<16xi32>
        %parallel_loop3A_151 = tpu.dynamic_gather %parallel_loop3A_71[%parallel_loop3A_150] in [0] : vector<16xf32>, vector<16xi32> -> vector<16xf32>
        %parallel_loop3A_152 = arith.constant 16 : i32
        %parallel_loop3A_153 = arith.muli %parallel_loop3A_62, %parallel_loop3A_152 : i32
        %parallel_loop3A_154 = tpu.iota {dimensions = array<i32: 0>} : vector<16xi32>
        %parallel_loop3A_155 = arith.constant 1 : i32
        %parallel_loop3A_156 = vector.broadcast %parallel_loop3A_155 : i32 to vector<16xi32>
        %parallel_loop3A_157 = arith.shrsi %parallel_loop3A_154, %parallel_loop3A_156 : vector<16xi32>
        %parallel_loop3A_158 = arith.constant 8 : i32
        %parallel_loop3A_159 = vector.broadcast %parallel_loop3A_158 : i32 to vector<16xi32>
        %parallel_loop3A_160 = arith.addi %parallel_loop3A_157, %parallel_loop3A_159 : vector<16xi32>
        %parallel_loop3A_161 = arith.constant 1 : i32
        %parallel_loop3A_162 = vector.broadcast %parallel_loop3A_161 : i32 to vector<16xi32>
        %parallel_loop3A_163 = arith.andi %parallel_loop3A_154, %parallel_loop3A_162 : vector<16xi32>
        %parallel_loop3A_164 = arith.constant 0 : i32
        %parallel_loop3A_165 = vector.broadcast %parallel_loop3A_164 : i32 to vector<16xi32>
        %parallel_loop3A_166 = arith.cmpi eq, %parallel_loop3A_163, %parallel_loop3A_165 : vector<16xi32>
        %parallel_loop3A_167 = arith.constant 0 : i32
        %parallel_loop3A_168 = arith.constant 8 : i32
        %parallel_loop3A_169 = arith.constant 1 : i32
        scf.for %parallel_loop3A_170 = %parallel_loop3A_167 to %parallel_loop3A_168 step %parallel_loop3A_169  : i32 {
          %parallel_loop3A_171 = arith.constant 16 : i32
          %parallel_loop3A_172 = arith.muli %parallel_loop3A_170, %parallel_loop3A_171 : i32
          %parallel_loop3A_173 = tpu.assume_multiple %parallel_loop3A_172, 16 : i32
          %parallel_loop3A_174 = arith.constant 0 : i32
          %parallel_loop3A_175 = arith.addi %parallel_loop3A_153, %parallel_loop3A_174 : i32
          %parallel_loop3A_176 = arith.index_cast %parallel_loop3A_175 : i32 to index
          %parallel_loop3A_177 = arith.index_cast %parallel_loop3A_173 : i32 to index
          %parallel_loop3A_178 = tpu.vector_load %arg9[%parallel_loop3A_176, %parallel_loop3A_177] {strides = array<i32>} : memref<128x128xi32, #tpu.memory_space<vmem>>, vector<1x16xi32>,
          %parallel_loop3A_179 = vector.shape_cast %parallel_loop3A_178 : vector<1x16xi32> to vector<16xi32>
          %parallel_loop3A_180 = arith.constant 16 : i32
          %parallel_loop3A_181 = vector.broadcast %parallel_loop3A_180 : i32 to vector<16xi32>
          %parallel_loop3A_182 = arith.shli %parallel_loop3A_179, %parallel_loop3A_181 : vector<16xi32>
          %parallel_loop3A_183 = tpu.bitcast %parallel_loop3A_182 : vector<16xi32> -> vector<16xf32>
          %parallel_loop3A_184 = arith.constant -65536 : i32
          %parallel_loop3A_185 = vector.broadcast %parallel_loop3A_184 : i32 to vector<16xi32>
          %parallel_loop3A_186 = arith.andi %parallel_loop3A_179, %parallel_loop3A_185 : vector<16xi32>
          %parallel_loop3A_187 = tpu.bitcast %parallel_loop3A_186 : vector<16xi32> -> vector<16xf32>
          %parallel_loop3A_188 = arith.mulf %parallel_loop3A_76, %parallel_loop3A_183 : vector<16xf32>
          %parallel_loop3A_189 = arith.mulf %parallel_loop3A_76, %parallel_loop3A_187 : vector<16xf32>
          %parallel_loop3A_190 = arith.constant 1 : i32
          %parallel_loop3A_191 = arith.addi %parallel_loop3A_153, %parallel_loop3A_190 : i32
          %parallel_loop3A_192 = arith.index_cast %parallel_loop3A_191 : i32 to index
          %parallel_loop3A_193 = arith.index_cast %parallel_loop3A_173 : i32 to index
          %parallel_loop3A_194 = tpu.vector_load %arg9[%parallel_loop3A_192, %parallel_loop3A_193] {strides = array<i32>} : memref<128x128xi32, #tpu.memory_space<vmem>>, vector<1x16xi32>,
          %parallel_loop3A_195 = vector.shape_cast %parallel_loop3A_194 : vector<1x16xi32> to vector<16xi32>
          %parallel_loop3A_196 = arith.constant 16 : i32
          %parallel_loop3A_197 = vector.broadcast %parallel_loop3A_196 : i32 to vector<16xi32>
          %parallel_loop3A_198 = arith.shli %parallel_loop3A_195, %parallel_loop3A_197 : vector<16xi32>
          %parallel_loop3A_199 = tpu.bitcast %parallel_loop3A_198 : vector<16xi32> -> vector<16xf32>
          %parallel_loop3A_200 = arith.constant -65536 : i32
          %parallel_loop3A_201 = vector.broadcast %parallel_loop3A_200 : i32 to vector<16xi32>
          %parallel_loop3A_202 = arith.andi %parallel_loop3A_195, %parallel_loop3A_201 : vector<16xi32>
          %parallel_loop3A_203 = tpu.bitcast %parallel_loop3A_202 : vector<16xi32> -> vector<16xf32>
          %parallel_loop3A_204 = arith.mulf %parallel_loop3A_81, %parallel_loop3A_199 : vector<16xf32>
          %parallel_loop3A_205 = arith.mulf %parallel_loop3A_81, %parallel_loop3A_203 : vector<16xf32>
          %parallel_loop3A_206 = arith.constant 2 : i32
          %parallel_loop3A_207 = arith.addi %parallel_loop3A_153, %parallel_loop3A_206 : i32
          %parallel_loop3A_208 = arith.index_cast %parallel_loop3A_207 : i32 to index
          %parallel_loop3A_209 = arith.index_cast %parallel_loop3A_173 : i32 to index
          %parallel_loop3A_210 = tpu.vector_load %arg9[%parallel_loop3A_208, %parallel_loop3A_209] {strides = array<i32>} : memref<128x128xi32, #tpu.memory_space<vmem>>, vector<1x16xi32>,
          %parallel_loop3A_211 = vector.shape_cast %parallel_loop3A_210 : vector<1x16xi32> to vector<16xi32>
          %parallel_loop3A_212 = arith.constant 16 : i32
          %parallel_loop3A_213 = vector.broadcast %parallel_loop3A_212 : i32 to vector<16xi32>
          %parallel_loop3A_214 = arith.shli %parallel_loop3A_211, %parallel_loop3A_213 : vector<16xi32>
          %parallel_loop3A_215 = tpu.bitcast %parallel_loop3A_214 : vector<16xi32> -> vector<16xf32>
          %parallel_loop3A_216 = arith.constant -65536 : i32
          %parallel_loop3A_217 = vector.broadcast %parallel_loop3A_216 : i32 to vector<16xi32>
          %parallel_loop3A_218 = arith.andi %parallel_loop3A_211, %parallel_loop3A_217 : vector<16xi32>
          %parallel_loop3A_219 = tpu.bitcast %parallel_loop3A_218 : vector<16xi32> -> vector<16xf32>
          %parallel_loop3A_220 = arith.mulf %parallel_loop3A_86, %parallel_loop3A_215 : vector<16xf32>
          %parallel_loop3A_221 = arith.mulf %parallel_loop3A_86, %parallel_loop3A_219 : vector<16xf32>
          %parallel_loop3A_222 = arith.constant 3 : i32
          %parallel_loop3A_223 = arith.addi %parallel_loop3A_153, %parallel_loop3A_222 : i32
          %parallel_loop3A_224 = arith.index_cast %parallel_loop3A_223 : i32 to index
          %parallel_loop3A_225 = arith.index_cast %parallel_loop3A_173 : i32 to index
          %parallel_loop3A_226 = tpu.vector_load %arg9[%parallel_loop3A_224, %parallel_loop3A_225] {strides = array<i32>} : memref<128x128xi32, #tpu.memory_space<vmem>>, vector<1x16xi32>,
          %parallel_loop3A_227 = vector.shape_cast %parallel_loop3A_226 : vector<1x16xi32> to vector<16xi32>
          %parallel_loop3A_228 = arith.constant 16 : i32
          %parallel_loop3A_229 = vector.broadcast %parallel_loop3A_228 : i32 to vector<16xi32>
          %parallel_loop3A_230 = arith.shli %parallel_loop3A_227, %parallel_loop3A_229 : vector<16xi32>
          %parallel_loop3A_231 = tpu.bitcast %parallel_loop3A_230 : vector<16xi32> -> vector<16xf32>
          %parallel_loop3A_232 = arith.constant -65536 : i32
          %parallel_loop3A_233 = vector.broadcast %parallel_loop3A_232 : i32 to vector<16xi32>
          %parallel_loop3A_234 = arith.andi %parallel_loop3A_227, %parallel_loop3A_233 : vector<16xi32>
          %parallel_loop3A_235 = tpu.bitcast %parallel_loop3A_234 : vector<16xi32> -> vector<16xf32>
          %parallel_loop3A_236 = arith.mulf %parallel_loop3A_91, %parallel_loop3A_231 : vector<16xf32>
          %parallel_loop3A_237 = arith.mulf %parallel_loop3A_91, %parallel_loop3A_235 : vector<16xf32>
          %parallel_loop3A_238 = arith.constant 4 : i32
          %parallel_loop3A_239 = arith.addi %parallel_loop3A_153, %parallel_loop3A_238 : i32
          %parallel_loop3A_240 = arith.index_cast %parallel_loop3A_239 : i32 to index
          %parallel_loop3A_241 = arith.index_cast %parallel_loop3A_173 : i32 to index
          %parallel_loop3A_242 = tpu.vector_load %arg9[%parallel_loop3A_240, %parallel_loop3A_241] {strides = array<i32>} : memref<128x128xi32, #tpu.memory_space<vmem>>, vector<1x16xi32>,
          %parallel_loop3A_243 = vector.shape_cast %parallel_loop3A_242 : vector<1x16xi32> to vector<16xi32>
          %parallel_loop3A_244 = arith.constant 16 : i32
          %parallel_loop3A_245 = vector.broadcast %parallel_loop3A_244 : i32 to vector<16xi32>
          %parallel_loop3A_246 = arith.shli %parallel_loop3A_243, %parallel_loop3A_245 : vector<16xi32>
          %parallel_loop3A_247 = tpu.bitcast %parallel_loop3A_246 : vector<16xi32> -> vector<16xf32>
          %parallel_loop3A_248 = arith.constant -65536 : i32
          %parallel_loop3A_249 = vector.broadcast %parallel_loop3A_248 : i32 to vector<16xi32>
          %parallel_loop3A_250 = arith.andi %parallel_loop3A_243, %parallel_loop3A_249 : vector<16xi32>
          %parallel_loop3A_251 = tpu.bitcast %parallel_loop3A_250 : vector<16xi32> -> vector<16xf32>
          %parallel_loop3A_252 = arith.mulf %parallel_loop3A_96, %parallel_loop3A_247 : vector<16xf32>
          %parallel_loop3A_253 = arith.mulf %parallel_loop3A_96, %parallel_loop3A_251 : vector<16xf32>
          %parallel_loop3A_254 = arith.constant 5 : i32
          %parallel_loop3A_255 = arith.addi %parallel_loop3A_153, %parallel_loop3A_254 : i32
          %parallel_loop3A_256 = arith.index_cast %parallel_loop3A_255 : i32 to index
          %parallel_loop3A_257 = arith.index_cast %parallel_loop3A_173 : i32 to index
          %parallel_loop3A_258 = tpu.vector_load %arg9[%parallel_loop3A_256, %parallel_loop3A_257] {strides = array<i32>} : memref<128x128xi32, #tpu.memory_space<vmem>>, vector<1x16xi32>,
          %parallel_loop3A_259 = vector.shape_cast %parallel_loop3A_258 : vector<1x16xi32> to vector<16xi32>
          %parallel_loop3A_260 = arith.constant 16 : i32
          %parallel_loop3A_261 = vector.broadcast %parallel_loop3A_260 : i32 to vector<16xi32>
          %parallel_loop3A_262 = arith.shli %parallel_loop3A_259, %parallel_loop3A_261 : vector<16xi32>
          %parallel_loop3A_263 = tpu.bitcast %parallel_loop3A_262 : vector<16xi32> -> vector<16xf32>
          %parallel_loop3A_264 = arith.constant -65536 : i32
          %parallel_loop3A_265 = vector.broadcast %parallel_loop3A_264 : i32 to vector<16xi32>
          %parallel_loop3A_266 = arith.andi %parallel_loop3A_259, %parallel_loop3A_265 : vector<16xi32>
          %parallel_loop3A_267 = tpu.bitcast %parallel_loop3A_266 : vector<16xi32> -> vector<16xf32>
          %parallel_loop3A_268 = arith.mulf %parallel_loop3A_101, %parallel_loop3A_263 : vector<16xf32>
          %parallel_loop3A_269 = arith.mulf %parallel_loop3A_101, %parallel_loop3A_267 : vector<16xf32>
          %parallel_loop3A_270 = arith.constant 6 : i32
          %parallel_loop3A_271 = arith.addi %parallel_loop3A_153, %parallel_loop3A_270 : i32
          %parallel_loop3A_272 = arith.index_cast %parallel_loop3A_271 : i32 to index
          %parallel_loop3A_273 = arith.index_cast %parallel_loop3A_173 : i32 to index
          %parallel_loop3A_274 = tpu.vector_load %arg9[%parallel_loop3A_272, %parallel_loop3A_273] {strides = array<i32>} : memref<128x128xi32, #tpu.memory_space<vmem>>, vector<1x16xi32>,
          %parallel_loop3A_275 = vector.shape_cast %parallel_loop3A_274 : vector<1x16xi32> to vector<16xi32>
          %parallel_loop3A_276 = arith.constant 16 : i32
          %parallel_loop3A_277 = vector.broadcast %parallel_loop3A_276 : i32 to vector<16xi32>
          %parallel_loop3A_278 = arith.shli %parallel_loop3A_275, %parallel_loop3A_277 : vector<16xi32>
          %parallel_loop3A_279 = tpu.bitcast %parallel_loop3A_278 : vector<16xi32> -> vector<16xf32>
          %parallel_loop3A_280 = arith.constant -65536 : i32
          %parallel_loop3A_281 = vector.broadcast %parallel_loop3A_280 : i32 to vector<16xi32>
          %parallel_loop3A_282 = arith.andi %parallel_loop3A_275, %parallel_loop3A_281 : vector<16xi32>
          %parallel_loop3A_283 = tpu.bitcast %parallel_loop3A_282 : vector<16xi32> -> vector<16xf32>
          %parallel_loop3A_284 = arith.mulf %parallel_loop3A_106, %parallel_loop3A_279 : vector<16xf32>
          %parallel_loop3A_285 = arith.mulf %parallel_loop3A_106, %parallel_loop3A_283 : vector<16xf32>
          %parallel_loop3A_286 = arith.constant 7 : i32
          %parallel_loop3A_287 = arith.addi %parallel_loop3A_153, %parallel_loop3A_286 : i32
          %parallel_loop3A_288 = arith.index_cast %parallel_loop3A_287 : i32 to index
          %parallel_loop3A_289 = arith.index_cast %parallel_loop3A_173 : i32 to index
          %parallel_loop3A_290 = tpu.vector_load %arg9[%parallel_loop3A_288, %parallel_loop3A_289] {strides = array<i32>} : memref<128x128xi32, #tpu.memory_space<vmem>>, vector<1x16xi32>,
          %parallel_loop3A_291 = vector.shape_cast %parallel_loop3A_290 : vector<1x16xi32> to vector<16xi32>
          %parallel_loop3A_292 = arith.constant 16 : i32
          %parallel_loop3A_293 = vector.broadcast %parallel_loop3A_292 : i32 to vector<16xi32>
          %parallel_loop3A_294 = arith.shli %parallel_loop3A_291, %parallel_loop3A_293 : vector<16xi32>
          %parallel_loop3A_295 = tpu.bitcast %parallel_loop3A_294 : vector<16xi32> -> vector<16xf32>
          %parallel_loop3A_296 = arith.constant -65536 : i32
          %parallel_loop3A_297 = vector.broadcast %parallel_loop3A_296 : i32 to vector<16xi32>
          %parallel_loop3A_298 = arith.andi %parallel_loop3A_291, %parallel_loop3A_297 : vector<16xi32>
          %parallel_loop3A_299 = tpu.bitcast %parallel_loop3A_298 : vector<16xi32> -> vector<16xf32>
          %parallel_loop3A_300 = arith.mulf %parallel_loop3A_111, %parallel_loop3A_295 : vector<16xf32>
          %parallel_loop3A_301 = arith.mulf %parallel_loop3A_111, %parallel_loop3A_299 : vector<16xf32>
          %parallel_loop3A_302 = arith.constant 8 : i32
          %parallel_loop3A_303 = arith.addi %parallel_loop3A_153, %parallel_loop3A_302 : i32
          %parallel_loop3A_304 = arith.index_cast %parallel_loop3A_303 : i32 to index
          %parallel_loop3A_305 = arith.index_cast %parallel_loop3A_173 : i32 to index
          %parallel_loop3A_306 = tpu.vector_load %arg9[%parallel_loop3A_304, %parallel_loop3A_305] {strides = array<i32>} : memref<128x128xi32, #tpu.memory_space<vmem>>, vector<1x16xi32>,
          %parallel_loop3A_307 = vector.shape_cast %parallel_loop3A_306 : vector<1x16xi32> to vector<16xi32>
          %parallel_loop3A_308 = arith.constant 16 : i32
          %parallel_loop3A_309 = vector.broadcast %parallel_loop3A_308 : i32 to vector<16xi32>
          %parallel_loop3A_310 = arith.shli %parallel_loop3A_307, %parallel_loop3A_309 : vector<16xi32>
          %parallel_loop3A_311 = tpu.bitcast %parallel_loop3A_310 : vector<16xi32> -> vector<16xf32>
          %parallel_loop3A_312 = arith.constant -65536 : i32
          %parallel_loop3A_313 = vector.broadcast %parallel_loop3A_312 : i32 to vector<16xi32>
          %parallel_loop3A_314 = arith.andi %parallel_loop3A_307, %parallel_loop3A_313 : vector<16xi32>
          %parallel_loop3A_315 = tpu.bitcast %parallel_loop3A_314 : vector<16xi32> -> vector<16xf32>
          %parallel_loop3A_316 = arith.mulf %parallel_loop3A_116, %parallel_loop3A_311 : vector<16xf32>
          %parallel_loop3A_317 = arith.mulf %parallel_loop3A_116, %parallel_loop3A_315 : vector<16xf32>
          %parallel_loop3A_318 = arith.constant 9 : i32
          %parallel_loop3A_319 = arith.addi %parallel_loop3A_153, %parallel_loop3A_318 : i32
          %parallel_loop3A_320 = arith.index_cast %parallel_loop3A_319 : i32 to index
          %parallel_loop3A_321 = arith.index_cast %parallel_loop3A_173 : i32 to index
          %parallel_loop3A_322 = tpu.vector_load %arg9[%parallel_loop3A_320, %parallel_loop3A_321] {strides = array<i32>} : memref<128x128xi32, #tpu.memory_space<vmem>>, vector<1x16xi32>,
          %parallel_loop3A_323 = vector.shape_cast %parallel_loop3A_322 : vector<1x16xi32> to vector<16xi32>
          %parallel_loop3A_324 = arith.constant 16 : i32
          %parallel_loop3A_325 = vector.broadcast %parallel_loop3A_324 : i32 to vector<16xi32>
          %parallel_loop3A_326 = arith.shli %parallel_loop3A_323, %parallel_loop3A_325 : vector<16xi32>
          %parallel_loop3A_327 = tpu.bitcast %parallel_loop3A_326 : vector<16xi32> -> vector<16xf32>
          %parallel_loop3A_328 = arith.constant -65536 : i32
          %parallel_loop3A_329 = vector.broadcast %parallel_loop3A_328 : i32 to vector<16xi32>
          %parallel_loop3A_330 = arith.andi %parallel_loop3A_323, %parallel_loop3A_329 : vector<16xi32>
          %parallel_loop3A_331 = tpu.bitcast %parallel_loop3A_330 : vector<16xi32> -> vector<16xf32>
          %parallel_loop3A_332 = arith.mulf %parallel_loop3A_121, %parallel_loop3A_327 : vector<16xf32>
          %parallel_loop3A_333 = arith.mulf %parallel_loop3A_121, %parallel_loop3A_331 : vector<16xf32>
          %parallel_loop3A_334 = arith.constant 10 : i32
          %parallel_loop3A_335 = arith.addi %parallel_loop3A_153, %parallel_loop3A_334 : i32
          %parallel_loop3A_336 = arith.index_cast %parallel_loop3A_335 : i32 to index
          %parallel_loop3A_337 = arith.index_cast %parallel_loop3A_173 : i32 to index
          %parallel_loop3A_338 = tpu.vector_load %arg9[%parallel_loop3A_336, %parallel_loop3A_337] {strides = array<i32>} : memref<128x128xi32, #tpu.memory_space<vmem>>, vector<1x16xi32>,
          %parallel_loop3A_339 = vector.shape_cast %parallel_loop3A_338 : vector<1x16xi32> to vector<16xi32>
          %parallel_loop3A_340 = arith.constant 16 : i32
          %parallel_loop3A_341 = vector.broadcast %parallel_loop3A_340 : i32 to vector<16xi32>
          %parallel_loop3A_342 = arith.shli %parallel_loop3A_339, %parallel_loop3A_341 : vector<16xi32>
          %parallel_loop3A_343 = tpu.bitcast %parallel_loop3A_342 : vector<16xi32> -> vector<16xf32>
          %parallel_loop3A_344 = arith.constant -65536 : i32
          %parallel_loop3A_345 = vector.broadcast %parallel_loop3A_344 : i32 to vector<16xi32>
          %parallel_loop3A_346 = arith.andi %parallel_loop3A_339, %parallel_loop3A_345 : vector<16xi32>
          %parallel_loop3A_347 = tpu.bitcast %parallel_loop3A_346 : vector<16xi32> -> vector<16xf32>
          %parallel_loop3A_348 = arith.mulf %parallel_loop3A_126, %parallel_loop3A_343 : vector<16xf32>
          %parallel_loop3A_349 = arith.mulf %parallel_loop3A_126, %parallel_loop3A_347 : vector<16xf32>
          %parallel_loop3A_350 = arith.constant 11 : i32
          %parallel_loop3A_351 = arith.addi %parallel_loop3A_153, %parallel_loop3A_350 : i32
          %parallel_loop3A_352 = arith.index_cast %parallel_loop3A_351 : i32 to index
          %parallel_loop3A_353 = arith.index_cast %parallel_loop3A_173 : i32 to index
          %parallel_loop3A_354 = tpu.vector_load %arg9[%parallel_loop3A_352, %parallel_loop3A_353] {strides = array<i32>} : memref<128x128xi32, #tpu.memory_space<vmem>>, vector<1x16xi32>,
          %parallel_loop3A_355 = vector.shape_cast %parallel_loop3A_354 : vector<1x16xi32> to vector<16xi32>
          %parallel_loop3A_356 = arith.constant 16 : i32
          %parallel_loop3A_357 = vector.broadcast %parallel_loop3A_356 : i32 to vector<16xi32>
          %parallel_loop3A_358 = arith.shli %parallel_loop3A_355, %parallel_loop3A_357 : vector<16xi32>
          %parallel_loop3A_359 = tpu.bitcast %parallel_loop3A_358 : vector<16xi32> -> vector<16xf32>
          %parallel_loop3A_360 = arith.constant -65536 : i32
          %parallel_loop3A_361 = vector.broadcast %parallel_loop3A_360 : i32 to vector<16xi32>
          %parallel_loop3A_362 = arith.andi %parallel_loop3A_355, %parallel_loop3A_361 : vector<16xi32>
          %parallel_loop3A_363 = tpu.bitcast %parallel_loop3A_362 : vector<16xi32> -> vector<16xf32>
          %parallel_loop3A_364 = arith.mulf %parallel_loop3A_131, %parallel_loop3A_359 : vector<16xf32>
          %parallel_loop3A_365 = arith.mulf %parallel_loop3A_131, %parallel_loop3A_363 : vector<16xf32>
          %parallel_loop3A_366 = arith.constant 12 : i32
          %parallel_loop3A_367 = arith.addi %parallel_loop3A_153, %parallel_loop3A_366 : i32
          %parallel_loop3A_368 = arith.index_cast %parallel_loop3A_367 : i32 to index
          %parallel_loop3A_369 = arith.index_cast %parallel_loop3A_173 : i32 to index
          %parallel_loop3A_370 = tpu.vector_load %arg9[%parallel_loop3A_368, %parallel_loop3A_369] {strides = array<i32>} : memref<128x128xi32, #tpu.memory_space<vmem>>, vector<1x16xi32>,
          %parallel_loop3A_371 = vector.shape_cast %parallel_loop3A_370 : vector<1x16xi32> to vector<16xi32>
          %parallel_loop3A_372 = arith.constant 16 : i32
          %parallel_loop3A_373 = vector.broadcast %parallel_loop3A_372 : i32 to vector<16xi32>
          %parallel_loop3A_374 = arith.shli %parallel_loop3A_371, %parallel_loop3A_373 : vector<16xi32>
          %parallel_loop3A_375 = tpu.bitcast %parallel_loop3A_374 : vector<16xi32> -> vector<16xf32>
          %parallel_loop3A_376 = arith.constant -65536 : i32
          %parallel_loop3A_377 = vector.broadcast %parallel_loop3A_376 : i32 to vector<16xi32>
          %parallel_loop3A_378 = arith.andi %parallel_loop3A_371, %parallel_loop3A_377 : vector<16xi32>
          %parallel_loop3A_379 = tpu.bitcast %parallel_loop3A_378 : vector<16xi32> -> vector<16xf32>
          %parallel_loop3A_380 = arith.mulf %parallel_loop3A_136, %parallel_loop3A_375 : vector<16xf32>
          %parallel_loop3A_381 = arith.mulf %parallel_loop3A_136, %parallel_loop3A_379 : vector<16xf32>
          %parallel_loop3A_382 = arith.constant 13 : i32
          %parallel_loop3A_383 = arith.addi %parallel_loop3A_153, %parallel_loop3A_382 : i32
          %parallel_loop3A_384 = arith.index_cast %parallel_loop3A_383 : i32 to index
          %parallel_loop3A_385 = arith.index_cast %parallel_loop3A_173 : i32 to index
          %parallel_loop3A_386 = tpu.vector_load %arg9[%parallel_loop3A_384, %parallel_loop3A_385] {strides = array<i32>} : memref<128x128xi32, #tpu.memory_space<vmem>>, vector<1x16xi32>,
          %parallel_loop3A_387 = vector.shape_cast %parallel_loop3A_386 : vector<1x16xi32> to vector<16xi32>
          %parallel_loop3A_388 = arith.constant 16 : i32
          %parallel_loop3A_389 = vector.broadcast %parallel_loop3A_388 : i32 to vector<16xi32>
          %parallel_loop3A_390 = arith.shli %parallel_loop3A_387, %parallel_loop3A_389 : vector<16xi32>
          %parallel_loop3A_391 = tpu.bitcast %parallel_loop3A_390 : vector<16xi32> -> vector<16xf32>
          %parallel_loop3A_392 = arith.constant -65536 : i32
          %parallel_loop3A_393 = vector.broadcast %parallel_loop3A_392 : i32 to vector<16xi32>
          %parallel_loop3A_394 = arith.andi %parallel_loop3A_387, %parallel_loop3A_393 : vector<16xi32>
          %parallel_loop3A_395 = tpu.bitcast %parallel_loop3A_394 : vector<16xi32> -> vector<16xf32>
          %parallel_loop3A_396 = arith.mulf %parallel_loop3A_141, %parallel_loop3A_391 : vector<16xf32>
          %parallel_loop3A_397 = arith.mulf %parallel_loop3A_141, %parallel_loop3A_395 : vector<16xf32>
          %parallel_loop3A_398 = arith.constant 14 : i32
          %parallel_loop3A_399 = arith.addi %parallel_loop3A_153, %parallel_loop3A_398 : i32
          %parallel_loop3A_400 = arith.index_cast %parallel_loop3A_399 : i32 to index
          %parallel_loop3A_401 = arith.index_cast %parallel_loop3A_173 : i32 to index
          %parallel_loop3A_402 = tpu.vector_load %arg9[%parallel_loop3A_400, %parallel_loop3A_401] {strides = array<i32>} : memref<128x128xi32, #tpu.memory_space<vmem>>, vector<1x16xi32>,
          %parallel_loop3A_403 = vector.shape_cast %parallel_loop3A_402 : vector<1x16xi32> to vector<16xi32>
          %parallel_loop3A_404 = arith.constant 16 : i32
          %parallel_loop3A_405 = vector.broadcast %parallel_loop3A_404 : i32 to vector<16xi32>
          %parallel_loop3A_406 = arith.shli %parallel_loop3A_403, %parallel_loop3A_405 : vector<16xi32>
          %parallel_loop3A_407 = tpu.bitcast %parallel_loop3A_406 : vector<16xi32> -> vector<16xf32>
          %parallel_loop3A_408 = arith.constant -65536 : i32
          %parallel_loop3A_409 = vector.broadcast %parallel_loop3A_408 : i32 to vector<16xi32>
          %parallel_loop3A_410 = arith.andi %parallel_loop3A_403, %parallel_loop3A_409 : vector<16xi32>
          %parallel_loop3A_411 = tpu.bitcast %parallel_loop3A_410 : vector<16xi32> -> vector<16xf32>
          %parallel_loop3A_412 = arith.mulf %parallel_loop3A_146, %parallel_loop3A_407 : vector<16xf32>
          %parallel_loop3A_413 = arith.mulf %parallel_loop3A_146, %parallel_loop3A_411 : vector<16xf32>
          %parallel_loop3A_414 = arith.constant 15 : i32
          %parallel_loop3A_415 = arith.addi %parallel_loop3A_153, %parallel_loop3A_414 : i32
          %parallel_loop3A_416 = arith.index_cast %parallel_loop3A_415 : i32 to index
          %parallel_loop3A_417 = arith.index_cast %parallel_loop3A_173 : i32 to index
          %parallel_loop3A_418 = tpu.vector_load %arg9[%parallel_loop3A_416, %parallel_loop3A_417] {strides = array<i32>} : memref<128x128xi32, #tpu.memory_space<vmem>>, vector<1x16xi32>,
          %parallel_loop3A_419 = vector.shape_cast %parallel_loop3A_418 : vector<1x16xi32> to vector<16xi32>
          %parallel_loop3A_420 = arith.constant 16 : i32
          %parallel_loop3A_421 = vector.broadcast %parallel_loop3A_420 : i32 to vector<16xi32>
          %parallel_loop3A_422 = arith.shli %parallel_loop3A_419, %parallel_loop3A_421 : vector<16xi32>
          %parallel_loop3A_423 = tpu.bitcast %parallel_loop3A_422 : vector<16xi32> -> vector<16xf32>
          %parallel_loop3A_424 = arith.constant -65536 : i32
          %parallel_loop3A_425 = vector.broadcast %parallel_loop3A_424 : i32 to vector<16xi32>
          %parallel_loop3A_426 = arith.andi %parallel_loop3A_419, %parallel_loop3A_425 : vector<16xi32>
          %parallel_loop3A_427 = tpu.bitcast %parallel_loop3A_426 : vector<16xi32> -> vector<16xf32>
          %parallel_loop3A_428 = arith.mulf %parallel_loop3A_151, %parallel_loop3A_423 : vector<16xf32>
          %parallel_loop3A_429 = arith.mulf %parallel_loop3A_151, %parallel_loop3A_427 : vector<16xf32>
          %parallel_loop3A_430 = arith.addf %parallel_loop3A_188, %parallel_loop3A_204 : vector<16xf32>
          %parallel_loop3A_431 = arith.addf %parallel_loop3A_220, %parallel_loop3A_236 : vector<16xf32>
          %parallel_loop3A_432 = arith.addf %parallel_loop3A_252, %parallel_loop3A_268 : vector<16xf32>
          %parallel_loop3A_433 = arith.addf %parallel_loop3A_284, %parallel_loop3A_300 : vector<16xf32>
          %parallel_loop3A_434 = arith.addf %parallel_loop3A_316, %parallel_loop3A_332 : vector<16xf32>
          %parallel_loop3A_435 = arith.addf %parallel_loop3A_348, %parallel_loop3A_364 : vector<16xf32>
          %parallel_loop3A_436 = arith.addf %parallel_loop3A_380, %parallel_loop3A_396 : vector<16xf32>
          %parallel_loop3A_437 = arith.addf %parallel_loop3A_412, %parallel_loop3A_428 : vector<16xf32>
          %parallel_loop3A_438 = arith.addf %parallel_loop3A_189, %parallel_loop3A_205 : vector<16xf32>
          %parallel_loop3A_439 = arith.addf %parallel_loop3A_221, %parallel_loop3A_237 : vector<16xf32>
          %parallel_loop3A_440 = arith.addf %parallel_loop3A_253, %parallel_loop3A_269 : vector<16xf32>
          %parallel_loop3A_441 = arith.addf %parallel_loop3A_285, %parallel_loop3A_301 : vector<16xf32>
          %parallel_loop3A_442 = arith.addf %parallel_loop3A_317, %parallel_loop3A_333 : vector<16xf32>
          %parallel_loop3A_443 = arith.addf %parallel_loop3A_349, %parallel_loop3A_365 : vector<16xf32>
          %parallel_loop3A_444 = arith.addf %parallel_loop3A_381, %parallel_loop3A_397 : vector<16xf32>
          %parallel_loop3A_445 = arith.addf %parallel_loop3A_413, %parallel_loop3A_429 : vector<16xf32>
          %parallel_loop3A_446 = arith.addf %parallel_loop3A_430, %parallel_loop3A_431 : vector<16xf32>
          %parallel_loop3A_447 = arith.addf %parallel_loop3A_432, %parallel_loop3A_433 : vector<16xf32>
          %parallel_loop3A_448 = arith.addf %parallel_loop3A_434, %parallel_loop3A_435 : vector<16xf32>
          %parallel_loop3A_449 = arith.addf %parallel_loop3A_436, %parallel_loop3A_437 : vector<16xf32>
          %parallel_loop3A_450 = arith.addf %parallel_loop3A_438, %parallel_loop3A_439 : vector<16xf32>
          %parallel_loop3A_451 = arith.addf %parallel_loop3A_440, %parallel_loop3A_441 : vector<16xf32>
          %parallel_loop3A_452 = arith.addf %parallel_loop3A_442, %parallel_loop3A_443 : vector<16xf32>
          %parallel_loop3A_453 = arith.addf %parallel_loop3A_444, %parallel_loop3A_445 : vector<16xf32>
          %parallel_loop3A_454 = arith.addf %parallel_loop3A_446, %parallel_loop3A_447 : vector<16xf32>
          %parallel_loop3A_455 = arith.addf %parallel_loop3A_448, %parallel_loop3A_449 : vector<16xf32>
          %parallel_loop3A_456 = arith.addf %parallel_loop3A_450, %parallel_loop3A_451 : vector<16xf32>
          %parallel_loop3A_457 = arith.addf %parallel_loop3A_452, %parallel_loop3A_453 : vector<16xf32>
          %parallel_loop3A_458 = arith.addf %parallel_loop3A_454, %parallel_loop3A_455 : vector<16xf32>
          %parallel_loop3A_459 = arith.addf %parallel_loop3A_456, %parallel_loop3A_457 : vector<16xf32>
          %parallel_loop3A_460 = vector.shape_cast %parallel_loop3A_157 : vector<16xi32> to vector<16x1xi32>
          %parallel_loop3A_461 = vector.shape_cast %parallel_loop3A_460 : vector<16x1xi32> to vector<16xi32>
          %parallel_loop3A_462 = tpu.dynamic_gather %parallel_loop3A_458[%parallel_loop3A_461] in [0] : vector<16xf32>, vector<16xi32> -> vector<16xf32>
          %parallel_loop3A_463 = vector.shape_cast %parallel_loop3A_157 : vector<16xi32> to vector<16x1xi32>
          %parallel_loop3A_464 = vector.shape_cast %parallel_loop3A_463 : vector<16x1xi32> to vector<16xi32>
          %parallel_loop3A_465 = tpu.dynamic_gather %parallel_loop3A_459[%parallel_loop3A_464] in [0] : vector<16xf32>, vector<16xi32> -> vector<16xf32>
          %parallel_loop3A_466 = arith.select %parallel_loop3A_166, %parallel_loop3A_462, %parallel_loop3A_465 : vector<16xi1>, vector<16xf32>
          %parallel_loop3A_467 = vector.shape_cast %parallel_loop3A_160 : vector<16xi32> to vector<16x1xi32>
          %parallel_loop3A_468 = vector.shape_cast %parallel_loop3A_467 : vector<16x1xi32> to vector<16xi32>
          %parallel_loop3A_469 = tpu.dynamic_gather %parallel_loop3A_458[%parallel_loop3A_468] in [0] : vector<16xf32>, vector<16xi32> -> vector<16xf32>
          %parallel_loop3A_470 = vector.shape_cast %parallel_loop3A_160 : vector<16xi32> to vector<16x1xi32>
          %parallel_loop3A_471 = vector.shape_cast %parallel_loop3A_470 : vector<16x1xi32> to vector<16xi32>
          %parallel_loop3A_472 = tpu.dynamic_gather %parallel_loop3A_459[%parallel_loop3A_471] in [0] : vector<16xf32>, vector<16xi32> -> vector<16xf32>
          %parallel_loop3A_473 = arith.select %parallel_loop3A_166, %parallel_loop3A_469, %parallel_loop3A_472 : vector<16xi1>, vector<16xf32>
          %parallel_loop3A_474 = arith.constant 32 : i32
          %parallel_loop3A_475 = arith.muli %parallel_loop3A_170, %parallel_loop3A_474 : i32
          %parallel_loop3A_476 = tpu.assume_multiple %parallel_loop3A_475, 16 : i32
          %parallel_loop3A_477 = arith.index_cast %parallel_loop3A_62 : i32 to index
          %parallel_loop3A_478 = arith.index_cast %parallel_loop3A_476 : i32 to index
          %parallel_loop3A_479 = tpu.vector_load %arg10[%parallel_loop3A_477, %parallel_loop3A_478] {strides = array<i32>} : memref<8x256xf32, #tpu.memory_space<vmem>>, vector<1x16xf32>,
          %parallel_loop3A_480 = vector.shape_cast %parallel_loop3A_479 : vector<1x16xf32> to vector<16xf32>
          %parallel_loop3A_481 = vector.shape_cast %parallel_loop3A_466 : vector<16xf32> to vector<1x16xf32>
          tpu.vector_store %arg10[%parallel_loop3A_477, %parallel_loop3A_478], %parallel_loop3A_481 {strides = array<i32>} : memref<8x256xf32, #tpu.memory_space<vmem>>, vector<1x16xf32>,
          %parallel_loop3A_482 = arith.constant 32 : i32
          %parallel_loop3A_483 = arith.muli %parallel_loop3A_170, %parallel_loop3A_482 : i32
          %parallel_loop3A_484 = arith.constant 16 : i32
          %parallel_loop3A_485 = arith.addi %parallel_loop3A_483, %parallel_loop3A_484 : i32
          %parallel_loop3A_486 = tpu.assume_multiple %parallel_loop3A_485, 16 : i32
          %parallel_loop3A_487 = arith.index_cast %parallel_loop3A_62 : i32 to index
          %parallel_loop3A_488 = arith.index_cast %parallel_loop3A_486 : i32 to index
          %parallel_loop3A_489 = tpu.vector_load %arg10[%parallel_loop3A_487, %parallel_loop3A_488] {strides = array<i32>} : memref<8x256xf32, #tpu.memory_space<vmem>>, vector<1x16xf32>,
          %parallel_loop3A_490 = vector.shape_cast %parallel_loop3A_489 : vector<1x16xf32> to vector<16xf32>
          %parallel_loop3A_491 = vector.shape_cast %parallel_loop3A_473 : vector<16xf32> to vector<1x16xf32>
          tpu.vector_store %arg10[%parallel_loop3A_487, %parallel_loop3A_488], %parallel_loop3A_491 {strides = array<i32>} : memref<8x256xf32, #tpu.memory_space<vmem>>, vector<1x16xf32>,
        } {sc.loop_unroll_factor = 1 : i64, sc.parallel_access}
      } {sc.loop_unroll_factor = 1 : i64, sc.parallel_access}
      %mul3A_50 = arith.constant 1568 : i32
      %mul3A_51 = arith.muli %add3A, %mul3A_50 : i32
      %mul3A_52 = arith.constant 8 : i32
      %mul3A_53 = arith.muli %add3A_41, %mul3A_52 : i32
      %add3A_54 = arith.addi %mul3A_51, %mul3A_53 : i32
      "tpu.region"() ({
        %run_scoped3A = tpu.sem_alloc : memref<!tpu.dma_semaphore, #tpu.memory_space<semaphore_mem>>
        %dma_start3A_62 = arith.constant 0 : i32
        %dma_start3A_63 = tpu.memref_slice %arg5[%add3A_54, %dma_start3A_62] : memref<50176x256xf32, #tpu.memory_space<hbm>> -> memref<8x256xf32, #tpu.memory_space<hbm>>
        %dma_start3A_64 = arith.constant 0 : i32
        %dma_start3A_65 = tpu.memref_slice %arg5[%add3A_54, %dma_start3A_64] : memref<50176x256xf32, #tpu.memory_space<hbm>> -> memref<8x256xf32, #tpu.memory_space<hbm>>
        tpu.enqueue_dma source(%arg10 : memref<8x256xf32, #tpu.memory_space<vmem>>) target(%dma_start3A_65 : memref<8x256xf32, #tpu.memory_space<hbm>>) target_semaphore(%run_scoped3A : memref<!tpu.dma_semaphore, #tpu.memory_space<semaphore_mem>>)
        %dma_wait3A_66 = arith.constant 0 : i32
        %dma_wait3A_67 = tpu.memref_slice %arg5[%add3A_54, %dma_wait3A_66] : memref<50176x256xf32, #tpu.memory_space<hbm>> -> memref<8x256xf32, #tpu.memory_space<hbm>>
        %dma_wait3A_68 = arith.constant 0 : i32
        %dma_wait3A_69 = tpu.memref_slice %arg5[%add3A_54, %dma_wait3A_68] : memref<50176x256xf32, #tpu.memory_space<hbm>> -> memref<8x256xf32, #tpu.memory_space<hbm>>
        tpu.wait_dma2 semaphore(%run_scoped3A : memref<!tpu.dma_semaphore, #tpu.memory_space<semaphore_mem>>) src(%arg10 : memref<8x256xf32, #tpu.memory_space<vmem>>) dst(%dma_wait3A_69 : memref<8x256xf32, #tpu.memory_space<hbm>>)
        tpu.yield
      }) : () -> ()
      %add3A_55 = arith.constant 2 : i32
      %add3A_56 = arith.addi %add3A_41, %add3A_55 : i32
      %lt3A_57 = arith.constant 196 : i32
      %lt3A_58 = arith.cmpi slt, %add3A_56, %lt3A_57 : i32
      %convert_element_type3A_59 = arith.extui %lt3A_58 : i1 to i32
      %cond3A_60 = arith.constant 0 : i32
      %cond3A_61 = arith.cmpi ne, %convert_element_type3A_59, %cond3A_60 : i32
      scf.if %cond3A_61 {
        %add3A_62 = arith.constant 2 : i32
        %add3A_63 = arith.addi %add3A_41, %add3A_62 : i32
        %mul3A_64 = arith.constant 128 : i32
        %mul3A_65 = arith.muli %add3A_63, %mul3A_64 : i32
        %multiple_of3A_66 = tpu.assume_multiple %mul3A_65, 128 : i32
        %dma_start3A_67 = tpu.memref_slice %arg6[%multiple_of3A_66] : memref<25088xi32, #tpu.memory_space<vmem>> -> memref<128xi32, #tpu.memory_space<vmem>>
        %dma_start3A_68 = arith.constant 0 : i32
        %dma_start3A_69 = arith.constant 0 : i32
        %dma_start3A_70 = tpu.memref_slice %arg2[%dma_start3A_68, %dma_start3A_69] : memref<30400x128xi32, #tpu.memory_space<hbm>> -> memref<30400x128xi32, #tpu.memory_space<hbm>>
        tpu.enqueue_indirect_dma source(%dma_start3A_70 : memref<30400x128xi32, #tpu.memory_space<hbm>>) target(%arg9 : memref<128x128xi32, #tpu.memory_space<vmem>>) offsets(%dma_start3A_67 : memref<128xi32, #tpu.memory_space<vmem>>) semaphore(%arg12 : memref<!tpu.dma_semaphore, #tpu.memory_space<semaphore_mem>>)
      } else {
      }
    }
    %scan3A_17 = arith.constant 98 : i32
    return
  }
}

module attributes {stable_mosaic.version = 14 : i64} {
  func.func @_stage_a_body(%arg0: i32, %arg1: memref<128x5xf32, #tpu.memory_space<vmem>>, %arg2: memref<128x784xf32, #tpu.memory_space<vmem>>, %arg3: memref<128x784xf32, #tpu.memory_space<vmem>>, %arg4: memref<128x784xi32, #tpu.memory_space<vmem>>, %arg5: memref<128x784xf32, #tpu.memory_space<vmem>>) attributes {dimension_semantics = [#tpu.dimension_semantics<arbitrary>], iteration_bounds = array<i64: 8>, scalar_prefetch = 0 : i64, scratch_operands = 0 : i64, tpu.core_type = #tpu.core_type<tc>, window_params = [{transform_indices = @transform_0, window_bounds = array<i64: 128, 5>}, {transform_indices = @transform_1, window_bounds = array<i64: 128, 784>}, {transform_indices = @transform_2, window_bounds = array<i64: 128, 784>}, {transform_indices = @transform_3, window_bounds = array<i64: 128, 784>}, {transform_indices = @transform_4, window_bounds = array<i64: 128, 784>}]} {
    %iota3A = tpu.iota {dimensions = array<i32: 1>} : vector<128x784xi32>
    %iota3A_0 = tpu.iota {dimensions = array<i32: 0>} : vector<128x784xi32>
    %mul3A = arith.constant 128 : i32
    %mul3A_1 = arith.muli %arg0, %mul3A : i32
    %add3A = vector.broadcast %mul3A_1 : i32 to vector<128x784xi32>
    %add3A_2 = arith.addi %iota3A_0, %add3A : vector<128x784xi32>
    %and3A = arith.constant 3 : i32
    %and3A_3 = vector.broadcast %and3A : i32 to vector<128x784xi32>
    %and3A_4 = arith.andi %iota3A, %and3A_3 : vector<128x784xi32>
    %shift_right_arithmetic3A = arith.constant 2 : i32
    %shift_right_arithmetic3A_5 = vector.broadcast %shift_right_arithmetic3A : i32 to vector<128x784xi32>
    %shift_right_arithmetic3A_6 = arith.shrsi %iota3A, %shift_right_arithmetic3A_5 : vector<128x784xi32>
    %and3A_7 = arith.constant 1 : i32
    %and3A_8 = vector.broadcast %and3A_7 : i32 to vector<128x784xi32>
    %and3A_9 = arith.andi %shift_right_arithmetic3A_6, %and3A_8 : vector<128x784xi32>
    %convert_element_type3A = arith.sitofp %and3A_9 : vector<128x784xi32> to vector<128x784xf32>
    %shift_right_arithmetic3A_10 = arith.constant 3 : i32
    %shift_right_arithmetic3A_11 = vector.broadcast %shift_right_arithmetic3A_10 : i32 to vector<128x784xi32>
    %shift_right_arithmetic3A_12 = arith.shrsi %iota3A, %shift_right_arithmetic3A_11 : vector<128x784xi32>
    %and3A_13 = arith.constant 1 : i32
    %and3A_14 = vector.broadcast %and3A_13 : i32 to vector<128x784xi32>
    %and3A_15 = arith.andi %shift_right_arithmetic3A_12, %and3A_14 : vector<128x784xi32>
    %convert_element_type3A_16 = arith.sitofp %and3A_15 : vector<128x784xi32> to vector<128x784xf32>
    %shift_right_arithmetic3A_17 = arith.constant 4 : i32
    %shift_right_arithmetic3A_18 = vector.broadcast %shift_right_arithmetic3A_17 : i32 to vector<128x784xi32>
    %shift_right_arithmetic3A_19 = arith.shrsi %iota3A, %shift_right_arithmetic3A_18 : vector<128x784xi32>
    %convert_element_type3A_20 = arith.sitofp %shift_right_arithmetic3A_19 : vector<128x784xi32> to vector<128x784xf32>
    %add3A_21 = arith.constant 5.000000e-01 : f32
    %add3A_22 = vector.broadcast %add3A_21 : f32 to vector<128x784xf32>
    %add3A_23 = arith.addf %convert_element_type3A_20, %add3A_22 : vector<128x784xf32>
    %mul3A_24 = arith.constant 0.142857149 : f32
    %mul3A_25 = vector.broadcast %mul3A_24 : f32 to vector<128x784xf32>
    %mul3A_26 = arith.mulf %add3A_23, %mul3A_25 : vector<128x784xf32>
    %floor3A = math.floor %mul3A_26 : vector<128x784xf32>
    %mul3A_27 = arith.constant 7.000000e+00 : f32
    %mul3A_28 = vector.broadcast %mul3A_27 : f32 to vector<128x784xf32>
    %mul3A_29 = arith.mulf %floor3A, %mul3A_28 : vector<128x784xf32>
    %sub3A = arith.subf %convert_element_type3A_20, %mul3A_29 : vector<128x784xf32>
    %get3A = arith.constant 0 : index
    %get3A_30 = arith.constant 0 : index
    %get3A_31 = vector.load %arg1[%get3A, %get3A_30] : memref<128x5xf32, #tpu.memory_space<vmem>>, vector<128x1xf32>
    %get3A_32 = arith.constant 0 : index
    %get3A_33 = arith.constant 1 : index
    %get3A_34 = vector.load %arg1[%get3A_32, %get3A_33] : memref<128x5xf32, #tpu.memory_space<vmem>>, vector<128x1xf32>
    %get3A_35 = arith.constant 0 : index
    %get3A_36 = arith.constant 2 : index
    %get3A_37 = vector.load %arg1[%get3A_35, %get3A_36] : memref<128x5xf32, #tpu.memory_space<vmem>>, vector<128x1xf32>
    %get3A_38 = arith.constant 0 : index
    %get3A_39 = arith.constant 3 : index
    %get3A_40 = vector.load %arg1[%get3A_38, %get3A_39] : memref<128x5xf32, #tpu.memory_space<vmem>>, vector<128x1xf32>
    %get3A_41 = arith.constant 0 : index
    %get3A_42 = arith.constant 4 : index
    %get3A_43 = vector.load %arg1[%get3A_41, %get3A_42] : memref<128x5xf32, #tpu.memory_space<vmem>>, vector<128x1xf32>
    %mul3A_44 = arith.constant 1.250000e-01 : f32
    %mul3A_45 = vector.broadcast %mul3A_44 : f32 to vector<128x1xf32>
    %mul3A_46 = arith.mulf %get3A_34, %mul3A_45 : vector<128x1xf32>
    %sub3A_47 = arith.constant 5.000000e-01 : f32
    %sub3A_48 = vector.broadcast %sub3A_47 : f32 to vector<128x1xf32>
    %sub3A_49 = arith.subf %mul3A_46, %sub3A_48 : vector<128x1xf32>
    %mul3A_50 = arith.constant 1.250000e-01 : f32
    %mul3A_51 = vector.broadcast %mul3A_50 : f32 to vector<128x1xf32>
    %mul3A_52 = arith.mulf %get3A_37, %mul3A_51 : vector<128x1xf32>
    %sub3A_53 = arith.constant 5.000000e-01 : f32
    %sub3A_54 = vector.broadcast %sub3A_53 : f32 to vector<128x1xf32>
    %sub3A_55 = arith.subf %mul3A_52, %sub3A_54 : vector<128x1xf32>
    %mul3A_56 = arith.constant 1.250000e-01 : f32
    %mul3A_57 = vector.broadcast %mul3A_56 : f32 to vector<128x1xf32>
    %mul3A_58 = arith.mulf %get3A_40, %mul3A_57 : vector<128x1xf32>
    %sub3A_59 = arith.constant 5.000000e-01 : f32
    %sub3A_60 = vector.broadcast %sub3A_59 : f32 to vector<128x1xf32>
    %sub3A_61 = arith.subf %mul3A_58, %sub3A_60 : vector<128x1xf32>
    %mul3A_62 = arith.constant 1.250000e-01 : f32
    %mul3A_63 = vector.broadcast %mul3A_62 : f32 to vector<128x1xf32>
    %mul3A_64 = arith.mulf %get3A_43, %mul3A_63 : vector<128x1xf32>
    %sub3A_65 = arith.constant 5.000000e-01 : f32
    %sub3A_66 = vector.broadcast %sub3A_65 : f32 to vector<128x1xf32>
    %sub3A_67 = arith.subf %mul3A_64, %sub3A_66 : vector<128x1xf32>
    %sub3A_68 = arith.subf %sub3A_61, %sub3A_49 : vector<128x1xf32>
    %sub3A_69 = arith.subf %sub3A_67, %sub3A_55 : vector<128x1xf32>
    %div3A = arith.constant 7.000000e+00 : f32
    %div3A_70 = vector.broadcast %div3A : f32 to vector<128x1xf32>
    %div3A_71 = arith.divf %sub3A_68, %div3A_70 : vector<128x1xf32>
    %div3A_72 = arith.constant 7.000000e+00 : f32
    %div3A_73 = vector.broadcast %div3A_72 : f32 to vector<128x1xf32>
    %div3A_74 = arith.divf %sub3A_69, %div3A_73 : vector<128x1xf32>
    %get3A_75 = arith.constant 0 : index
    %get3A_76 = arith.constant 0 : index
    %get3A_77 = vector.load %arg3[%get3A_75, %get3A_76] : memref<128x784xf32, #tpu.memory_space<vmem>>, vector<128x784xf32>
    %mul3A_78 = arith.constant 1.000000e-01 : f32
    %mul3A_79 = vector.broadcast %mul3A_78 : f32 to vector<128x784xf32>
    %mul3A_80 = arith.mulf %get3A_77, %mul3A_79 : vector<128x784xf32>
    %mul3A_81 = vector.broadcast %sub3A_69 : vector<128x1xf32> to vector<128x784xf32>
    %mul3A_82 = arith.mulf %mul3A_80, %mul3A_81 : vector<128x784xf32>
    %get3A_83 = arith.constant 0 : index
    %get3A_84 = arith.constant 0 : index
    %get3A_85 = vector.load %arg2[%get3A_83, %get3A_84] : memref<128x784xf32, #tpu.memory_space<vmem>>, vector<128x784xf32>
    %mul3A_86 = arith.constant 1.000000e-01 : f32
    %mul3A_87 = vector.broadcast %mul3A_86 : f32 to vector<128x784xf32>
    %mul3A_88 = arith.mulf %get3A_85, %mul3A_87 : vector<128x784xf32>
    %mul3A_89 = vector.broadcast %sub3A_68 : vector<128x1xf32> to vector<128x784xf32>
    %mul3A_90 = arith.mulf %mul3A_88, %mul3A_89 : vector<128x784xf32>
    %mul3A_91 = vector.broadcast %div3A_74 : vector<128x1xf32> to vector<128x784xf32>
    %mul3A_92 = arith.mulf %floor3A, %mul3A_91 : vector<128x784xf32>
    %add3A_93 = vector.broadcast %sub3A_55 : vector<128x1xf32> to vector<128x784xf32>
    %add3A_94 = arith.addf %add3A_93, %mul3A_92 : vector<128x784xf32>
    %add3A_95 = arith.constant 5.000000e-01 : f32
    %add3A_96 = vector.broadcast %add3A_95 : f32 to vector<128x784xf32>
    %add3A_97 = arith.addf %convert_element_type3A_16, %add3A_96 : vector<128x784xf32>
    %mul3A_98 = vector.broadcast %div3A_74 : vector<128x1xf32> to vector<128x784xf32>
    %mul3A_99 = arith.mulf %add3A_97, %mul3A_98 : vector<128x784xf32>
    %div3A_100 = arith.constant 2.000000e+00 : f32
    %div3A_101 = vector.broadcast %div3A_100 : f32 to vector<128x784xf32>
    %div3A_102 = arith.divf %mul3A_99, %div3A_101 : vector<128x784xf32>
    %add3A_103 = arith.addf %add3A_94, %div3A_102 : vector<128x784xf32>
    %add3A_104 = arith.addf %add3A_103, %mul3A_82 : vector<128x784xf32>
    %mul3A_105 = vector.broadcast %div3A_71 : vector<128x1xf32> to vector<128x784xf32>
    %mul3A_106 = arith.mulf %sub3A, %mul3A_105 : vector<128x784xf32>
    %add3A_107 = vector.broadcast %sub3A_49 : vector<128x1xf32> to vector<128x784xf32>
    %add3A_108 = arith.addf %add3A_107, %mul3A_106 : vector<128x784xf32>
    %add3A_109 = arith.constant 5.000000e-01 : f32
    %add3A_110 = vector.broadcast %add3A_109 : f32 to vector<128x784xf32>
    %add3A_111 = arith.addf %convert_element_type3A, %add3A_110 : vector<128x784xf32>
    %mul3A_112 = vector.broadcast %div3A_71 : vector<128x1xf32> to vector<128x784xf32>
    %mul3A_113 = arith.mulf %add3A_111, %mul3A_112 : vector<128x784xf32>
    %div3A_114 = arith.constant 2.000000e+00 : f32
    %div3A_115 = vector.broadcast %div3A_114 : f32 to vector<128x784xf32>
    %div3A_116 = arith.divf %mul3A_113, %div3A_115 : vector<128x784xf32>
    %add3A_117 = arith.addf %add3A_108, %div3A_116 : vector<128x784xf32>
    %add3A_118 = arith.addf %add3A_117, %mul3A_90 : vector<128x784xf32>
    %ge3A = arith.constant -1.000000e+00 : f32
    %ge3A_119 = vector.broadcast %ge3A : f32 to vector<128x784xf32>
    %ge3A_120 = arith.cmpf oge, %add3A_104, %ge3A_119 : vector<128x784xf32>
    %le3A = arith.constant 1.000000e+02 : f32
    %le3A_121 = vector.broadcast %le3A : f32 to vector<128x784xf32>
    %le3A_122 = arith.cmpf ole, %add3A_104, %le3A_121 : vector<128x784xf32>
    %and3A_123 = arith.andi %ge3A_120, %le3A_122 : vector<128x784xi1>
    %ge3A_124 = arith.constant -1.000000e+00 : f32
    %ge3A_125 = vector.broadcast %ge3A_124 : f32 to vector<128x784xf32>
    %ge3A_126 = arith.cmpf oge, %add3A_118, %ge3A_125 : vector<128x784xf32>
    %and3A_127 = arith.andi %and3A_123, %ge3A_126 : vector<128x784xi1>
    %le3A_128 = arith.constant 1.520000e+02 : f32
    %le3A_129 = vector.broadcast %le3A_128 : f32 to vector<128x784xf32>
    %le3A_130 = arith.cmpf ole, %add3A_118, %le3A_129 : vector<128x784xf32>
    %and3A_131 = arith.andi %and3A_127, %le3A_130 : vector<128x784xi1>
    %max3A = arith.constant 0.000000e+00 : f32
    %max3A_132 = vector.broadcast %max3A : f32 to vector<128x784xf32>
    %max3A_133 = arith.maximumf %add3A_104, %max3A_132 : vector<128x784xf32>
    %max3A_134 = arith.constant 0.000000e+00 : f32
    %max3A_135 = vector.broadcast %max3A_134 : f32 to vector<128x784xf32>
    %max3A_136 = arith.maximumf %add3A_118, %max3A_135 : vector<128x784xf32>
    %floor3A_137 = math.floor %max3A_133 : vector<128x784xf32>
    %min3A = arith.constant 9.900000e+01 : f32
    %min3A_138 = vector.broadcast %min3A : f32 to vector<128x784xf32>
    %min3A_139 = arith.minimumf %floor3A_137, %min3A_138 : vector<128x784xf32>
    %floor3A_140 = math.floor %max3A_136 : vector<128x784xf32>
    %min3A_141 = arith.constant 1.510000e+02 : f32
    %min3A_142 = vector.broadcast %min3A_141 : f32 to vector<128x784xf32>
    %min3A_143 = arith.minimumf %floor3A_140, %min3A_142 : vector<128x784xf32>
    %add3A_144 = arith.constant 1.000000e+00 : f32
    %add3A_145 = vector.broadcast %add3A_144 : f32 to vector<128x784xf32>
    %add3A_146 = arith.addf %min3A_139, %add3A_145 : vector<128x784xf32>
    %min3A_147 = arith.constant 9.900000e+01 : f32
    %min3A_148 = vector.broadcast %min3A_147 : f32 to vector<128x784xf32>
    %min3A_149 = arith.minimumf %add3A_146, %min3A_148 : vector<128x784xf32>
    %add3A_150 = arith.constant 1.000000e+00 : f32
    %add3A_151 = vector.broadcast %add3A_150 : f32 to vector<128x784xf32>
    %add3A_152 = arith.addf %min3A_143, %add3A_151 : vector<128x784xf32>
    %min3A_153 = arith.constant 1.510000e+02 : f32
    %min3A_154 = vector.broadcast %min3A_153 : f32 to vector<128x784xf32>
    %min3A_155 = arith.minimumf %add3A_152, %min3A_154 : vector<128x784xf32>
    %ge3A_156 = arith.constant 9.900000e+01 : f32
    %ge3A_157 = vector.broadcast %ge3A_156 : f32 to vector<128x784xf32>
    %ge3A_158 = arith.cmpf oge, %min3A_139, %ge3A_157 : vector<128x784xf32>
    %jit3A = arith.constant 9.900000e+01 : f32
    %broadcast_in_dim3A = vector.broadcast %jit3A : f32 to vector<128x784xf32>
    %select_n3A = arith.select %ge3A_158, %broadcast_in_dim3A, %max3A_133 : vector<128x784xi1>, vector<128x784xf32>
    %ge3A_159 = arith.constant 1.510000e+02 : f32
    %ge3A_160 = vector.broadcast %ge3A_159 : f32 to vector<128x784xf32>
    %ge3A_161 = arith.cmpf oge, %min3A_143, %ge3A_160 : vector<128x784xf32>
    %jit3A_162 = arith.constant 1.510000e+02 : f32
    %broadcast_in_dim3A_163 = vector.broadcast %jit3A_162 : f32 to vector<128x784xf32>
    %select_n3A_164 = arith.select %ge3A_161, %broadcast_in_dim3A_163, %max3A_136 : vector<128x784xi1>, vector<128x784xf32>
    %sub3A_165 = arith.subf %select_n3A, %min3A_139 : vector<128x784xf32>
    %sub3A_166 = arith.subf %select_n3A_164, %min3A_143 : vector<128x784xf32>
    %sub3A_167 = arith.constant 1.000000e+00 : f32
    %sub3A_168 = vector.broadcast %sub3A_167 : f32 to vector<128x784xf32>
    %sub3A_169 = arith.subf %sub3A_168, %sub3A_165 : vector<128x784xf32>
    %sub3A_170 = arith.constant 1.000000e+00 : f32
    %sub3A_171 = vector.broadcast %sub3A_170 : f32 to vector<128x784xf32>
    %sub3A_172 = arith.subf %sub3A_171, %sub3A_166 : vector<128x784xf32>
    %ge3A_173 = arith.constant 2 : i32
    %ge3A_174 = vector.broadcast %ge3A_173 : i32 to vector<128x784xi32>
    %ge3A_175 = arith.cmpi sge, %and3A_4, %ge3A_174 : vector<128x784xi32>
    %and3A_176 = arith.constant 1 : i32
    %and3A_177 = vector.broadcast %and3A_176 : i32 to vector<128x784xi32>
    %and3A_178 = arith.andi %and3A_4, %and3A_177 : vector<128x784xi32>
    %eq3A = arith.constant 1 : i32
    %eq3A_179 = vector.broadcast %eq3A : i32 to vector<128x784xi32>
    %eq3A_180 = arith.cmpi eq, %and3A_178, %eq3A_179 : vector<128x784xi32>
    %select_n3A_181 = arith.select %ge3A_175, %min3A_149, %min3A_139 : vector<128x784xi1>, vector<128x784xf32>
    %select_n3A_182 = arith.select %eq3A_180, %min3A_155, %min3A_143 : vector<128x784xi1>, vector<128x784xf32>
    %select_n3A_183 = arith.select %ge3A_175, %sub3A_165, %sub3A_169 : vector<128x784xi1>, vector<128x784xf32>
    %select_n3A_184 = arith.select %eq3A_180, %sub3A_166, %sub3A_172 : vector<128x784xi1>, vector<128x784xf32>
    %mul3A_185 = arith.mulf %select_n3A_183, %select_n3A_184 : vector<128x784xf32>
    %mul3A_186 = arith.constant 2.500000e-01 : f32
    %mul3A_187 = vector.broadcast %mul3A_186 : f32 to vector<128x784xf32>
    %mul3A_188 = arith.mulf %mul3A_185, %mul3A_187 : vector<128x784xf32>
    %lt3A = arith.constant 1000 : i32
    %lt3A_189 = vector.broadcast %lt3A : i32 to vector<128x784xi32>
    %lt3A_190 = arith.cmpi slt, %add3A_2, %lt3A_189 : vector<128x784xi32>
    %and3A_191 = arith.andi %and3A_131, %lt3A_190 : vector<128x784xi1>
    %jit3A_192 = arith.constant 0.000000e+00 : f32
    %broadcast_in_dim3A_193 = vector.broadcast %jit3A_192 : f32 to vector<128x784xf32>
    %select_n3A_194 = arith.select %and3A_191, %mul3A_188, %broadcast_in_dim3A_193 : vector<128x784xi1>, vector<128x784xf32>
    %mul3A_195 = arith.constant 1.520000e+04 : f32
    %mul3A_196 = vector.broadcast %mul3A_195 : f32 to vector<128x1xf32>
    %mul3A_197 = arith.mulf %get3A_31, %mul3A_196 : vector<128x1xf32>
    %mul3A_198 = arith.constant 1.520000e+02 : f32
    %mul3A_199 = vector.broadcast %mul3A_198 : f32 to vector<128x784xf32>
    %mul3A_200 = arith.mulf %select_n3A_181, %mul3A_199 : vector<128x784xf32>
    %add3A_201 = vector.broadcast %mul3A_197 : vector<128x1xf32> to vector<128x784xf32>
    %add3A_202 = arith.addf %add3A_201, %mul3A_200 : vector<128x784xf32>
    %add3A_203 = arith.addf %add3A_202, %select_n3A_182 : vector<128x784xf32>
    %convert_element_type3A_204 = arith.fptosi %add3A_203 : vector<128x784xf32> to vector<128x784xi32>
    %jit3A_205 = arith.constant 0 : i32
    %jit3A_206 = arith.constant 30399 : i32
    %max3A_207 = vector.broadcast %jit3A_205 : i32 to vector<128x784xi32>
    %max3A_208 = arith.maxsi %max3A_207, %convert_element_type3A_204 : vector<128x784xi32>
    %min3A_209 = vector.broadcast %jit3A_206 : i32 to vector<128x784xi32>
    %min3A_210 = arith.minsi %min3A_209, %max3A_208 : vector<128x784xi32>
    %swap3A = arith.constant 0 : index
    %swap3A_211 = arith.constant 0 : index
    %swap3A_212 = vector.load %arg4[%swap3A, %swap3A_211] : memref<128x784xi32, #tpu.memory_space<vmem>>, vector<128x784xi32>
    tpu.vector_store %arg4[%swap3A, %swap3A_211], %min3A_210 {strides = array<i32>} : memref<128x784xi32, #tpu.memory_space<vmem>>, vector<128x784xi32>,
    %swap3A_213 = arith.constant 0 : index
    %swap3A_214 = arith.constant 0 : index
    %swap3A_215 = vector.load %arg5[%swap3A_213, %swap3A_214] : memref<128x784xf32, #tpu.memory_space<vmem>>, vector<128x784xf32>
    tpu.vector_store %arg5[%swap3A_213, %swap3A_214], %select_n3A_194 {strides = array<i32>} : memref<128x784xf32, #tpu.memory_space<vmem>>, vector<128x784xf32>,
    return
  }
  func.func @transform_0(%arg0: i32) -> (i32, i32) {
    %c0_i32 = arith.constant 0 : i32
    %c0_i32_0 = arith.constant 0 : i32
    return %arg0, %c0_i32 : i32, i32
  }
  func.func @transform_1(%arg0: i32) -> (i32, i32) {
    %c0_i32 = arith.constant 0 : i32
    %c0_i32_0 = arith.constant 0 : i32
    return %arg0, %c0_i32 : i32, i32
  }
  func.func @transform_2(%arg0: i32) -> (i32, i32) {
    %c0_i32 = arith.constant 0 : i32
    %c0_i32_0 = arith.constant 0 : i32
    return %arg0, %c0_i32 : i32, i32
  }
  func.func @transform_3(%arg0: i32) -> (i32, i32) {
    %c0_i32 = arith.constant 0 : i32
    %c0_i32_0 = arith.constant 0 : i32
    return %arg0, %c0_i32 : i32, i32
  }
  func.func @transform_4(%arg0: i32) -> (i32, i32) {
    %c0_i32 = arith.constant 0 : i32
    %c0_i32_0 = arith.constant 0 : i32
    return %arg0, %c0_i32 : i32, i32
  }
}

</mosaic_0001>

<sc_bundles>
// kernel: kernel.4.cloned.1.call-start
scs
__scs_entry_jumppad:
0x0: {  	(pc) =	sbr.rel $0x88, $3  }
0x1: {  	(tag) =	ssettag $0x0;
	lr =	simm.s32 $0x1  }
0x2: {  	[smem:$0x3F9E] =	sst lr;
	_ =	strace $0xD0000000  }
0x3: {  	_ = 	snop  }
0x4: {  	_ = 	snop  }
0x5: {  	_ = 	snop  }
0x6: {  	_ = 	snop  }
0x7: {  	_ = 	snop  }
__scs_overlays_trampoline_lowered:
0x8: {  	[smem:$0x3FAD] =	sst s0  }
0x9: {  	[smem:$0x3FAE] =	sst s1  }
0xa: {  	[smem:$0x3FAF] =	sst s2  }
0xb: {  	[smem:$0x3FB0] =	sst s3  }
0xc: {  	[smem:$0x3FB1] =	sst s4  }
0xd: {  	[smem:$0x3FB2] =	sst s5  }
0xe: {  	[smem:$0x3FB3] =	sst s6  }
0xf: {  	[smem:$0x3FB4] =	sst s7  }
0x10: {  	[smem:$0x3FB5] =	sst s8  }
0x11: {  	[smem:$0x3FB6] =	sst s9;
	s0 =	simm.s32 @!p0 $0x0  }
0x12: {  	s1 =	sld [smem:$0x3F9C];
	s0 =	simm.s32 @p0 $0x1  }
0x13: {  	[smem:$0x3FB7] =	sst s0;
	s0 =	simm.s32 @!p1 $0x0  }
0x14: {  	s2 =	sld [smem:$0x3F9B];
	s0 =	simm.s32 @p1 $0x1  }
0x15: {  	[smem:$0x3FB8] =	sst s0;
	s0 =	simm.s32 @!p2 $0x0  }
0x16: {  	s3 =	sld [smem:$0x3FDB];
	s0 =	simm.s32 @p2 $0x1  }
0x17: {  	s4 =	simm.s32 $0x1BF5;
	[smem:$0x3FBA] =	sst s0  }
0x18: {  	s0 =	sld [smem:$0x3F9D];
	_ =	swait.ge [sflag:s4], $0x0  }
0x19: {  	s7 =	sld [smem:$0x3F9E]  }
0x1a: {  	s8 =	sadd.s32 $0xFFFFE003, lr  }
0x1b: {  	s9 =	sadd.s32 $0xFFFFFEF7, lr;
	s5 =	simm.s32 $0xFFFFFFFF;
	p2 =	slt.u32 s8, $0xFFFFF086  }
0x1c: {  	p1 =	slt.u32 s9, $0xF7A;
	s5 =	simm.s32 @!p2 $0x0  }
0x1d: {  	s5 =	simm.s32 @p1 $0x1;
	p0 =	seq.s32 s7, s2  }
0x1e: {  	s7 =	smul.u32 @!p0 $0xF7A, s2;
	p2 =	seq.s32 @!p0 s5, $0x0  }
0x1f: {  	s9 =	smul.u32 $0xF7A, s1;
	s8 =	simm.s32 @!p0 $0x1BF5;
	p2 =	por !p2, p0  }
0x20: {  	[sflag:s8] =	ssyncset.s32 @!p0 $0xFFFFF086;
	s6 =	sadd.s32 @!p0 s3, s7;
	s7 =	simm.s32 @!p0 $0x108  }
0x21: {  	s3 =	sadd.s32 s3, s9;
	s6 =	sadd.s32 @!p0 $0x88, s6;
	s7 =	simm.s32 @p2 $0x1082  }
0x22: {  	[simem:s7], [sflag:s8] =	dma.local @!p0 [hbm:s6], $0xF7A  }
0x23: {  	s9 =	sor.u32 $0xD0000000, s2;
	s6 =	simm.s32 $0x108;
	_ =	swait.ge @!p0 [sflag:s8], $0x0  }
0x24: {  	s3 =	sadd.s32 $0x88, s3;
	s6 =	simm.s32 @!p1 $0x1082;
	[sflag:s4] =	ssyncset.s32 $0xFFFFF086  }
0x25: {  	[simem:s6], [sflag:s4] =	dma.local [hbm:s3], $0xF7A  }
0x26: {  	[smem:$0x3F9E] =	sst s1;
	(tag) =	ssettag s2;
	_ =	strace s9  }
0x27: {  	s1 =	sld [smem:$0x3FAE]  }
0x28: {  	s2 =	sld [smem:$0x3FAF]  }
0x29: {  	s4 =	sld [smem:$0x3FB1]  }
0x2a: {  	p0 =	seq.s32 s5, $0x0;
	s5 =	sld [smem:$0x3FB2]  }
0x2b: {  	s6 =	sld [smem:$0x3FB3]  }
0x2c: {  	s7 =	sld [smem:$0x3FB4]  }
0x2d: {  	s3 =	simm.s32 $0x108;
	s8 =	sld [smem:$0x3FB5]  }
0x2e: {  	s3 =	simm.s32 @!p0 $0x1082;
	s9 =	sld [smem:$0x3FB6]  }
0x2f: {  	lr =	sadd.s32 s0, s3;
	s0 =	sld [smem:$0x3FAD]  }
0x30: {  	s3 =	sld [smem:$0x3FB0]  }
0x31: {  	[smem:$0x3FB9] =	sst s10  }
0x32: {  	s10 =	sld [smem:$0x3FB7];
	_ =	sdelay $0x3  }
0x33: {  	p0 =	seq.s32 s10, $0x1;
	s10 =	sld [smem:$0x3FB9];
	_ =	sdelay $0x3  }
0x34: {  	[smem:$0x3FB9] =	sst s10  }
0x35: {  	s10 =	sld [smem:$0x3FB8];
	_ =	sdelay $0x3  }
0x36: {  	p1 =	seq.s32 s10, $0x1;
	s10 =	sld [smem:$0x3FB9];
	_ =	sdelay $0x3  }
0x37: {  	[smem:$0x3FB9] =	sst s10  }
0x38: {  	s10 =	sld [smem:$0x3FBA]  }
0x39: {  	_ = 	snop;
	(pc) =	sbr.ind lr, $3  }
0x3a: {  	_ = 	snop  }
0x3b: {  	_ = 	snop  }
0x3c: {  	p2 =	seq.s32 s10, $0x1;
	s10 =	sld [smem:$0x3FB9]  }
0x3d: {  	_ =	shalt  }
0x3e: {  	_ =	shalt  }
0x3f: {  	_ =	shalt  }
0x40: {  	_ =	shalt  }
0x41: {  	_ =	shalt  }
0x42: {  	_ =	shalt  }
0x43: {  	_ =	shalt  }
0x44: {  	_ =	shalt  }
0x45: {  	_ =	shalt  }
0x46: {  	_ =	shalt  }
0x47: {  	_ =	shalt  }
0x48: {  	_ =	shalt  }
0x49: {  	_ =	shalt  }
0x4a: {  	_ =	shalt  }
0x4b: {  	_ =	shalt  }
0x4c: {  	_ =	shalt  }
0x4d: {  	_ =	shalt  }
0x4e: {  	_ =	shalt  }
0x4f: {  	_ =	shalt  }
0x50: {  	_ =	shalt  }
0x51: {  	_ =	shalt  }
0x52: {  	_ =	shalt  }
0x53: {  	_ =	shalt  }
0x54: {  	_ =	shalt  }
0x55: {  	_ =	shalt  }
0x56: {  	_ =	shalt  }
0x57: {  	_ =	shalt  }
0x58: {  	_ =	shalt  }
0x59: {  	_ =	shalt  }
0x5a: {  	_ =	shalt  }
0x5b: {  	_ =	shalt  }
0x5c: {  	_ =	shalt  }
0x5d: {  	_ =	shalt  }
0x5e: {  	_ =	shalt  }
0x5f: {  	_ =	shalt  }
0x60: {  	_ =	shalt  }
0x61: {  	_ =	shalt  }
0x62: {  	_ =	shalt  }
0x63: {  	_ =	shalt  }
0x64: {  	_ =	shalt  }
0x65: {  	_ =	shalt  }
0x66: {  	_ =	shalt  }
0x67: {  	_ =	shalt  }
0x68: {  	_ =	shalt  }
0x69: {  	_ =	shalt  }
0x6a: {  	_ =	shalt  }
0x6b: {  	_ =	shalt  }
0x6c: {  	_ =	shalt  }
0x6d: {  	_ =	shalt  }
0x6e: {  	_ =	shalt  }
0x6f: {  	_ =	shalt  }
0x70: {  	_ =	shalt  }
0x71: {  	_ =	shalt  }
0x72: {  	_ =	shalt  }
0x73: {  	_ =	shalt  }
0x74: {  	_ =	shalt  }
0x75: {  	_ =	shalt  }
0x76: {  	_ =	shalt  }
0x77: {  	_ =	shalt  }
0x78: {  	_ =	shalt  }
0x79: {  	_ =	shalt  }
0x7a: {  	_ =	shalt  }
0x7b: {  	_ =	shalt  }
0x7c: {  	_ =	shalt  }
0x7d: {  	_ =	shalt  }
0x7e: {  	_ =	shalt  }
0x7f: {  	_ =	shalt  }
0x80: {  	_ =	shalt  }
0x81: {  	_ =	shalt  }
0x82: {  	_ =	shalt  }
0x83: {  	_ =	shalt  }
0x84: {  	_ =	shalt  }
0x85: {  	_ =	shalt  }
0x86: {  	_ =	shalt  }
0x87: {  	_ =	shalt  }
.Lfunc_end0:
.L_simem_size_0:
called_computation.1_lowered:
.L_overlay_start_0:
0x88: {  	s2 =	sld [smem:$0x3FD9]  }
0x89: {  	s3 =	sld [smem:$0x3FFE];
	_ =	sdelay $0x1  }
0x8a: {  	s1 =	srdreg.scid  }
0x8b: {  	s0 =	sand.u32 $0x1, s1  }
0x8c: {  	s17 =	sshll.u32 s0, $0xA;
	s2 =	sadd.s32 s3, s2  }
0x8d: {  	s2 =	sadd.s32 s2, s17  }
0x8e: {  	[smem:$0x3FC5] =	sst s2  }
0x8f: {  	_ = 	snop  }
0x90: {  	s2 =	sld [smem:$0x3FD0];
	(tm) =	ssettm $0x1  }
0x91: {  	s18 =	sld [smem:$0x3FFB];
	_ =	sdelay $0x3  }
0x92: {  	_ =	strace s18  }
0x93: {  	s3 =	sld [smem:$0x3FFC];
	_ =	sdelay $0x3  }
0x94: {  	_ =	strace s3  }
0x95: {  	s3 =	sld [smem:$0x3FFD];
	_ =	sdelay $0x3  }
0x96: {  	_ =	strace s3  }
0x97: {  	_ =	strace $0x8FFFFFFF  }
0x98: {  	s19 =	sld [smem:$0x3FDB];
	_ =	sdelay $0x1  }
0x99: {  	s4 =	simm.s32 $_scs_section_size  }
0x9a: {  	s5 =	simm.s32 $_size__tile_overlayer_lowered;
	s6 =	simm.s32 $_tile_overlayer_lowered  }
0x9b: {  	s22 =	simm.s32 $0x1BFF;
	s21 =	sshll.u32 s6, $0x1;
	s3 =	sadd.s32 s4, s19  }
0x9c: {  	s7 =	simm.s32 $0x0;
	s20 =	sshll.u32 s5, $0x1;
	s5 =	sadd.s32 s21, s3  }
0x9d: {  	[timem:s7], [sflag:s22] =	dma.local [hbm:s5], s20  }
0x9e: {  	_ =	swait.ge [sflag:s22], s20  }
0x9f: {  	s4 =	ssub.s32 $0x0, s20;
	[sflag:s22] =	ssyncset.done $0x0  }
0xa0: {  	[sflag:s22] =	ssyncadd.s32 s4;
	_ =	sdelay $0x1  }
0xa1: {  	s23 =	simm.s32 $0x1B8B  }
0xa2: {  	_ =	swait.ge [sflag:s23], $0x1  }
0xa3: {  	[sflag:s23] =	ssyncset.done $0x0  }
0xa4: {  	s25 =	simm.s32 $0x1B8E;
	s24 =	sld [smem:$0x3FFE];
	[sflag:s23] =	ssyncadd.s32 $0xFFFFFFFF  }
0xa5: {  	s26 =	simm.s32 $execute0_lowered;
	[smem:$0x3FD2] =	sst s25  }
0xa6: {  	s5 =	sshll.u32 s26, $0x1;
	_ =	strace $0x80000046;
	[dreg:$0x1] =	wrdreg $0xFFFFFFFF  }
0xa7: {  	s28 =	simm.s32 $_size_execute0_lowered;
	s3 =	sadd.s32 s3, s5;
	[dreg:$0x0] =	wrdreg $0x0  }
0xa8: {  	s5 =	sshll.u32 s28, $0x1;
	[dreg:$0x2] =	wrdreg s3  }
0xa9: {  	[dreg:$0x3] =	wrdreg s5  }
0xaa: {  	[dreg:$0x4] =	wrdreg $0xC0  }
0xab: {  	_ =	task [dreg:s7], $0x5FFFF  }
0xac: {  	[dreg:$0x1] =	wrdreg $0xFFFFFFFF  }
0xad: {  	[dreg:$0x0] =	wrdreg $0x60  }
0xae: {  	[dreg:$0x2] =	wrdreg s2  }
0xaf: {  	[dreg:$0x3] =	wrdreg s24  }
0xb0: {  	[dreg:$0x4] =	wrdreg $0x9  }
0xb1: {  	_ =	task.clear_ibuf [dreg:s7], $0x5FFFF;
	_ =	strace $0x90000046  }
0xb2: {  	s29 =	simm.s32 $0x9;
	_ =	strace $0x80000048  }
0xb3: {  	_ =	swait.ge [sflag:s29], $0x1  }
0xb4: {  	[sflag:s29] =	ssyncadd.s32 $0xFFFFFFFF  }
0xb5: {  	_ =	strace $0x90000048  }
0xb6: {  	_ =	sfence  }
0xb7: {  	s30 =	sld [smem:$0x0];
	_ =	sdelay $0x2  }
0xb8: {  	s31 =	sshll.u32 s1, $0xD;
	s1 =	sshrl.u32 s1, $0x2  }
0xb9: {  	s3 =	sand.u32 $0x4000, s31;
	s1 =	sadd.s32 s1, s30  }
0xba: {  	s0 =	sor.u32 s3, s0;
	s1 =	sshll.u32 s1, $0x11  }
0xbb: {  	s0 =	sor.u32 s1, s0  }
0xbc: {  	s0 =	sadd.s32 $0x8F2B, s0  }
0xbd: {  	[sflag:s0] =	ssyncadd.remote.s32 $0x1  }
0xbe: {  	_ =	sfence.sel $0xFFFF  }
0xbf: {  	[dreg:$0x0] =	wrdreg $0xFFFFFFFF;
	(pc) =	sbr.abs _section_cstart, $3  }
0xc0: {  	[dreg:$0x1] =	wrdreg $0xFFFFFFFF  }
0xc1: {  	_ =	task.clear_ibuf [dreg:s7], $0x2FFFF;
	_ =	strace $0x9FFFFFFF  }
0xc2: {  	(tm) =	ssettm $0x7FFFFFFF  }
0xc3: {  	_ =	shalt  }
tec
execute0_lowered:
.L_overlay_start_1:
0x0: {  	(tag) =	ssettag $0x1  }
0x1: {  	s0 =	rddreg [dreg:$0x0]  }
0x2: {  	s2 =	srdreg.scid;
	s1 =	stileid.u32  }
0x3: {  	s5 =	rddreg [dreg:$0x1];
	s3 =	simm.s32 $0x0;
	s10 =	simm.s32 $0x3  }
0x4: {  	v10 =	vimm.s32 $0xA;
	vm0 =	vcmask $0xB08;
	vm1 =	vcmask $0x300;
	s11 =	simm.s32 $0x6200;
	s12 =	simm.s32 $0x80;
	s13 =	simm.s32 $0xC400  }
0x5: {  	v11 =	vimm.s32 $0xB;
	s14 =	simm.s32 $0x10400;
	s15 =	simm.s32 $0x1;
	s16 =	simm.s32 $0x14400;
	vm0 =	vmor vm1, vm0;
	vm1 =	vcmask $0x1310  }
0x6: {  	v12 =	vimm.s32 $0xC;
	s17 =	simm.s32 $0x2;
	s4 =	sand.u32 $0x1, s2;
	s6 =	sshll.u32 s1, $0x1;
	vm0 =	vmor vm0, vm1;
	vm1 =	vcmask $0x1B18  }
.Ltmp0:
0x7: {  	v13 =	vimm.s32 $0xD;
	s18 =	simm.s32 $0x0;
	s8 =	sor.u32 s4, s6;
	vm0 =	vmor vm0, vm1;
	vm1 =	vcmask $0x2320;
	(pc) =	sbr.rel .LBB2_1-.Ltmp0, $4  }
0x8: {  	v14 =	vimm.s32 $0xE;
	[smem:$0x7FF] =	sst s3;
	s31 =	ssub.s32 $0x2, s4;
	s7 =	smul.u32 $0xC40, s8;
	vm0 =	vmor vm0, vm1;
	vm1 =	vcmask $0x2B28  }
0x9: {  	v15 =	vlaneseq.u32;
	_ =	strace $0x80000047;
	s4 =	sadd.s32 $0x31000, s5;
	s9 =	sshrl.u32 s31, $0x1;
	vm0 =	vmor vm0, vm1;
	vm1 =	vcmask $0x3330  }
0xa: {  	v15 =	vshrl.u32 v15, $0x1;
	s6 =	smul.u32 $0x62000, s8;
	s9 =	ssub.s32 s31, s9;
	s5 =	sadd.s32 s5, s7;
	vm0 =	vmor vm0, vm1;
	vm1 =	vcmask $0x3B38  }
0xb: {  	v16 =	vimm.s32 $0xF;
	v17 =	vor.u32 $0x8, v15;
	s8 =	smul.u32 $0xC4, s8;
	s9 =	smax.u32 s9, $0x1;
	s7 =	sadd.s32 $0x18800, s5;
	vm0 =	vmor vm0, vm1  }
.LBB2_12:
0xc: {  	s18 =	sadd.s32 $0x1, s18  }
0xd: {  	p0 =	sne.s32 s18, s9  }
.Ltmp1:
0xe: {  	_ = 	snop;
	(pc) =	sbr.rel @!p0 .LBB2_13-.Ltmp1, $1  }
0xf: {  	_ =	sdelay $0x3  }
.LBB2_1:
0x10: {  	[tilespmem:s3], [sflag:$0x3] =	stream.linear.gather [hbm4b:s5+s3], $0x6200, $0x38;
	[tilespmem:$0x14C00] =	vst v63  }
0x11: {  	_ =	swait.ge [sflag:s10], $0x6200  }
0x12: {  	[sflag:s10] =	ssyncset.done $0x0  }
0x13: {  	[sflag:s10] =	ssyncadd.s32 $0xFFFF9E00  }
0x14: {  	[tilespmem:s11], [sflag:$0x3] =	stream.linear.gather [hbm4b:s7+s3], $0x6200, $0x38;
	[tilespmem:$0x14C00] =	vst v63  }
0x15: {  	_ =	swait.ge [sflag:s10], $0x6200  }
0x16: {  	[sflag:s10] =	ssyncset.done $0x0  }
0x17: {  	[sflag:s10] =	ssyncadd.s32 $0xFFFF9E00  }
0x18: {  	[tilespmem:s13], [sflag:$0x1] =	stream.indirect.gather [hbm4b:s0+s12], $0x80, s3, s12, $0xb8;
	[tilespmem:$0x14C00] =	vst v63  }
0x19: {  	s19 =	simm.s32 $0x0  }
0x1a: {  	[tilespmem:s14], [sflag:$0x2] =	stream.indirect.gather [hbm4b:s0+s12], $0x80, s12, s12, $0xb8;
	[tilespmem:$0x14C00] =	vst v63  }
.LBB2_2:
0x1b: {  	s21 =	sshll.u32 s19, $0xA  }
0x1c: {  	_ =	swait.ge [sflag:s15], $0x4000;
	s20 =	sshrl.u32 s21, $0x2  }
0x1d: {  	s22 =	simm.s32 $0x0;
	[sflag:s15] =	ssyncset.done $0x0;
	s24 =	sadd.s32 $0x6200, s20  }
0x1e: {  	s23 =	simm.s32 $0xC800;
	[sflag:s15] =	ssyncadd.s32 $0xFFFFC000;
	v18 =	vmov s24;
	s24 =	simm.s32 $0x0  }
.LBB2_3:
0x1f: {  	v35 =	vld [tilespmem:s23+$0xFFFFFC00]  }
0x20: {  	v36 =	vld [tilespmem:s23+$0xFFFFFC80]  }
0x21: {  	s25 =	sshll.u32 s24, $0x4;
	v37 =	vld [tilespmem:s23+$0xFFFFFD00]  }
0x22: {  	v0 =	vimm.s32 $0x0;
	v55 =	vimm.s32 $0x1;
	v38 =	vld [tilespmem:s23+$0xFFFFFD80];
	s25 =	sand.u32 $0x3FFFFFF0, s25  }
0x23: {  	v56 =	vimm.s32 $0x2;
	v57 =	vimm.s32 $0x3;
	v58 =	vimm.s32 $0x4;
	v29 =	vld.idx.msk [tilespmem:v18+s25+$0x0 ss:$0x1], $0xffff  }
0x24: {  	v59 =	vimm.s32 $0x5;
	v60 =	vimm.s32 $0x6;
	v61 =	vimm.s32 $0x7;
	v39 =	vld [tilespmem:s23+$0xFFFFFE00]  }
0x25: {  	v62 =	vimm.s32 $0x8;
	v63 =	vimm.s32 $0x9;
	v43 =	vshll.u32 v35, $0x10  }
0x26: {  	v40 =	vld [tilespmem:s23+$0xFFFFFE80];
	v35 =	vand.u32 $0xFFFF0000, v35;
	v45 =	vshll.u32 v36, $0x10;
	v36 =	vand.u32 $0xFFFF0000, v36  }
0x27: {  	v47 =	vshll.u32 v37, $0x10;
	v37 =	vand.u32 $0xFFFF0000, v37;
	v48 =	vshll.u32 v38, $0x10  }
0x28: {  	v41 =	vld [tilespmem:s23+$0xFFFFFF00];
	v38 =	vand.u32 $0xFFFF0000, v38;
	v19 =	vperm.xlane v29, v0;
	v20 =	vperm.xlane v29, v55  }
0x29: {  	v49 =	vshll.u32 v39, $0x10;
	v21 =	vperm.xlane v29, v56;
	v22 =	vperm.xlane v29, v57  }
0x2a: {  	v42 =	vld [tilespmem:s23+$0xFFFFFF80];
	v39 =	vand.u32 $0xFFFF0000, v39;
	v23 =	vperm.xlane v29, v58;
	v24 =	vperm.xlane v29, v59  }
0x2b: {  	v51 =	vshll.u32 v40, $0x10;
	v25 =	vperm.xlane v29, v60;
	v26 =	vperm.xlane v29, v61  }
0x2c: {  	v2 =	vld [tilespmem:s23+$0x380];
	v40 =	vand.u32 $0xFFFF0000, v40;
	v27 =	vperm.xlane v29, v62;
	v28 =	vperm.xlane v29, v63  }
0x2d: {  	v44 =	vld [tilespmem:s23+$0x0];
	v52 =	vshll.u32 v41, $0x10;
	v30 =	vperm.xlane v29, v10;
	v31 =	vperm.xlane v29, v11  }
0x2e: {  	v41 =	vand.u32 $0xFFFF0000, v41;
	v34 =	vperm.xlane v29, v12;
	v33 =	vperm.xlane v29, v13  }
0x2f: {  	v46 =	vld [tilespmem:s23+$0x80];
	v53 =	vshll.u32 v42, $0x10;
	v32 =	vperm.xlane v29, v14;
	v29 =	vperm.xlane v29, v16  }
0x30: {  	v42 =	vand.u32 $0xFFFF0000, v42;
	v43 =	vmul.f32 v43, v19;
	v35 =	vmul.f32 v35, v19  }
0x31: {  	v50 =	vld [tilespmem:s23+$0x100];
	v5 =	vshll.u32 v2, $0x10;
	v45 =	vmul.f32 v45, v20;
	v36 =	vmul.f32 v36, v20  }
0x32: {  	v55 =	vshll.u32 v44, $0x10;
	v47 =	vmul.f32 v47, v21;
	v37 =	vmul.f32 v37, v21  }
0x33: {  	v54 =	vld [tilespmem:s23+$0x180];
	v44 =	vand.u32 $0xFFFF0000, v44;
	v48 =	vmul.f32 v48, v22;
	v38 =	vmul.f32 v38, v22  }
0x34: {  	v56 =	vshll.u32 v46, $0x10;
	v49 =	vmul.f32 v49, v23;
	v39 =	vmul.f32 v39, v23  }
0x35: {  	v46 =	vand.u32 $0xFFFF0000, v46;
	v51 =	vmul.f32 v51, v24;
	v40 =	vmul.f32 v40, v24  }
0x36: {  	v58 =	vshll.u32 v50, $0x10;
	v52 =	vmul.f32 v52, v25;
	v41 =	vmul.f32 v41, v25  }
0x37: {  	v50 =	vand.u32 $0xFFFF0000, v50;
	v53 =	vmul.f32 v53, v26;
	v42 =	vmul.f32 v42, v26  }
0x38: {  	s28 =	sadd.s32 $0x10, s23;
	v60 =	vshll.u32 v54, $0x10;
	v55 =	vmul.f32 v55, v27;
	v44 =	vmul.f32 v44, v27  }
0x39: {  	v7 =	vld [tilespmem:s28+$0xFFFFFC00];
	v54 =	vand.u32 $0xFFFF0000, v54;
	v56 =	vmul.f32 v56, v28;
	v46 =	vmul.f32 v46, v28  }
0x3a: {  	v1 =	vld [tilespmem:s28+$0xFFFFFD00];
	v58 =	vmul.f32 v58, v30;
	v50 =	vmul.f32 v50, v30;
	v43 =	vadd.f32 v45, v43  }
0x3b: {  	v57 =	vld [tilespmem:s23+$0x200];
	v60 =	vmul.f32 v60, v31;
	v47 =	vadd.f32 v48, v47;
	v49 =	vadd.f32 v51, v49  }
0x3c: {  	v59 =	vld [tilespmem:s23+$0x280];
	v54 =	vmul.f32 v54, v31;
	v52 =	vadd.f32 v53, v52;
	v55 =	vadd.f32 v56, v55  }
0x3d: {  	v61 =	vld [tilespmem:s23+$0x300];
	v45 =	vand.u32 $0xFFFF0000, v2;
	v6 =	vadd.f32 v60, v58;
	v36 =	vadd.f32 v36, v35  }
0x3e: {  	s25 =	sshll.u32 s24, $0x7;
	v53 =	vmul.f32 v5, v29;
	v37 =	vadd.f32 v38, v37;
	v39 =	vadd.f32 v40, v39  }
0x3f: {  	v63 =	vadd.f32 v46, v44;
	v0 =	vadd.f32 v54, v50;
	v35 =	vmov s25  }
0x40: {  	v50 =	vshll.u32 v7, $0x10;
	v44 =	vand.u32 $0xFFFF0000, v1;
	v62 =	vshll.u32 v57, $0x10  }
0x41: {  	v57 =	vand.u32 $0xFFFF0000, v57;
	v3 =	vshll.u32 v59, $0x10;
	v59 =	vand.u32 $0xFFFF0000, v59  }
0x42: {  	v4 =	vshll.u32 v61, $0x10;
	v45 =	vmul.f32 v45, v29;
	v62 =	vmul.f32 v62, v34  }
0x43: {  	v61 =	vand.u32 $0xFFFF0000, v61;
	v48 =	vmul.f32 v3, v33;
	v51 =	vmul.f32 v4, v32  }
0x44: {  	v5 =	vld [tilespmem:s28+$0xFFFFFE00];
	v57 =	vmul.f32 v57, v34;
	v43 =	vadd.f32 v47, v43;
	v4 =	vadd.f32 v52, v49  }
0x45: {  	v58 =	vld [tilespmem:s28+$0xFFFFFF00];
	v59 =	vmul.f32 v59, v33;
	v6 =	vadd.f32 v6, v55;
	v36 =	vadd.f32 v37, v36  }
0x46: {  	v60 =	vmul.f32 v61, v32;
	v61 =	vld [tilespmem:s28+$0xFFFFFC80];
	v48 =	vadd.f32 v48, v62;
	v51 =	vadd.f32 v53, v51  }
0x47: {  	v3 =	vld [tilespmem:s28+$0xFFFFFD80];
	v49 =	vand.u32 $0xFFFF0000, v7;
	v62 =	vadd.f32 v42, v41;
	v2 =	vadd.f32 v59, v57  }
0x48: {  	v7 =	vld [tilespmem:s28+$0xFFFFFE80];
	v45 =	vadd.f32 v45, v60;
	v59 =	vadd.f32 v0, v63;
	v42 =	vshll.u32 v1, $0x10  }
0x49: {  	v43 =	vadd.f32 v4, v43;
	v47 =	vshll.u32 v5, $0x10;
	v52 =	vand.u32 $0xFFFF0000, v5  }
0x4a: {  	v55 =	vshll.u32 v58, $0x10;
	v56 =	vand.u32 $0xFFFF0000, v58;
	v48 =	vadd.f32 v51, v48  }
0x4b: {  	v42 =	vmul.f32 v42, v21;
	v57 =	vadd.f32 v62, v39;
	v60 =	vadd.f32 v45, v2  }
0x4c: {  	v0 =	vld [tilespmem:s28+$0x0];
	v47 =	vmul.f32 v47, v23;
	v51 =	vshll.u32 v61, $0x10;
	v38 =	vand.u32 $0xFFFF0000, v61  }
0x4d: {  	v1 =	vld [tilespmem:s28+$0x80];
	v40 =	vshll.u32 v3, $0x10;
	v41 =	vand.u32 $0xFFFF0000, v3;
	v45 =	vshll.u32 v7, $0x10  }
0x4e: {  	v5 =	vld [tilespmem:s28+$0x180];
	v54 =	vand.u32 $0xFFFF0000, v7;
	v61 =	vadd.f32 v48, v6;
	v6 =	vmul.f32 v50, v19  }
0x4f: {  	v36 =	vadd.f32 v57, v36;
	v7 =	vmul.f32 v51, v20;
	v37 =	vmul.f32 v38, v20  }
0x50: {  	v62 =	vld [tilespmem:s28+$0xFFFFFF80];
	v63 =	vadd.f32 v60, v59;
	v38 =	vmul.f32 v44, v21;
	v39 =	vmul.f32 v41, v22  }
0x51: {  	v2 =	vld [tilespmem:s28+$0x100];
	v45 =	vmul.f32 v45, v24;
	v41 =	vmul.f32 v54, v24;
	v46 =	vshll.u32 v0, $0x10  }
0x52: {  	v48 =	vshll.u32 v1, $0x10;
	v50 =	vand.u32 $0xFFFF0000, v1;
	v43 =	vadd.f32 v61, v43  }
0x53: {  	v36 =	vadd.f32 v63, v36;
	v61 =	vand.u32 $0xFFFF0000, v0;
	v0 =	vshll.u32 v5, $0x10  }
0x54: {  	v60 =	vand.u32 $0xFFFF0000, v5;
	v5 =	vmul.f32 v55, v25;
	v1 =	vmul.f32 v48, v28  }
0x55: {  	v50 =	vmul.f32 v50, v28;
	v58 =	vshll.u32 v62, $0x10;
	v59 =	vand.u32 $0xFFFF0000, v62  }
0x56: {  	v51 =	vshll.u32 v2, $0x10;
	v3 =	vperm.xlane v43, v15;
	v4 =	vperm.xlane v36, v15  }
0x57: {  	v63 =	vld [tilespmem:s28+$0x200];
	v53 =	vand.u32 $0xFFFF0000, v2;
	v43 =	vperm.xlane v43, v17;
	v36 =	vperm.xlane v36, v17  }
0x58: {  	v55 =	vld [tilespmem:s28+$0x300];
	v0 =	vmul.f32 v0, v31;
	v51 =	vmul.f32 v51, v30;
	v57 =	vsel vm0, v3, v4  }
0x59: {  	v62 =	vsel vm0, v43, v36;
	v4 =	vmul.f32 v40, v22;
	v40 =	vmul.f32 v52, v23;
	v52 =	vld [tilespmem:s28+$0x280]  }
0x5a: {  	v36 =	vmul.f32 v49, v19;
	v43 =	vadd.f32 v7, v6;
	v6 =	vmul.f32 v58, v26  }
0x5b: {  	v7 =	vmul.f32 v46, v27;
	v46 =	vadd.f32 v45, v47;
	v44 =	vadd.f32 v4, v42;
	v4 =	vld [tilespmem:s28+$0x380]  }
0x5c: {  	v45 =	vmul.f32 v59, v26;
	v47 =	vmul.f32 v61, v27;
	v2 =	vshll.u32 v63, $0x10  }
0x5d: {  	v42 =	vmul.f32 v56, v25;
	v48 =	vadd.f32 v6, v5;
	v49 =	vadd.f32 v1, v7  }
0x5e: {  	s26 =	sand.u32 $0x60, s22;
	s29 =	sand.u32 $0x400, s22;
	v6 =	vshll.u32 v55, $0x10;
	v58 =	vmul.f32 v2, v34;
	v5 =	vshll.u32 v52, $0x10  }
0x5f: {  	s29 =	sor.u32 s26, s29;
	v54 =	vand.u32 $0xFFFF0000, v52;
	v52 =	vadd.f32 v0, v51;
	v51 =	vmul.f32 v53, v30  }
0x60: {  	s30 =	sadd.s32 s25, s29;
	v53 =	vmul.f32 v60, v31;
	v60 =	vmul.f32 v6, v32;
	v7 =	vshll.u32 v4, $0x10  }
0x61: {  	s26 =	simm.s32 $0x20;
	s30 =	sadd.s32 $0x14400, s30;
	[tilespmem:v35+s29+$0x14400 ss:$0x1] =	vst.idx.msk $0xffff, v57;
	v56 =	vand.u32 $0xFFFF0000, v63;
	v59 =	vmul.f32 v5, v33;
	v61 =	vmul.f32 v7, v29  }
0x62: {  	s29 =	sadd.s32 $0x10, s28;
	v55 =	vand.u32 $0xFFFF0000, v55;
	[tilespmem:s30+$0x10] =	vst v62;
	s30 =	simm.s32 $0x40;
	s28 =	simm.s32 $0x0;
	v56 =	vmul.f32 v56, v34;
	v57 =	vand.u32 $0xFFFF0000, v4  }
.LBB2_4:
0x63: {  	v0 =	vld [tilespmem:s29+$0xFFFFFC00];
	p0 =	sne.s32 s30, $0xE0;
	v1 =	vmul.f32 v54, v33;
	v2 =	vadd.f32 v59, v58;
	v54 =	vadd.f32 v61, v60  }
0x64: {  	v55 =	vmul.f32 v55, v32;
	v36 =	vadd.f32 v37, v36;
	v37 =	vadd.f32 v39, v38  }
0x65: {  	v39 =	vmul.f32 v57, v29;
	v40 =	vadd.f32 v41, v40;
	v41 =	vadd.f32 v45, v42;
	v38 =	vld [tilespmem:s29+$0xFFFFFC80]  }
0x66: {  	v42 =	vadd.f32 v50, v47;
	v45 =	vadd.f32 v53, v51  }
0x67: {  	v1 =	vadd.f32 v1, v56;
	v39 =	vadd.f32 v39, v55;
	v47 =	vld [tilespmem:s29+$0xFFFFFD00]  }
0x68: {  	v43 =	vadd.f32 v44, v43;
	v44 =	vadd.f32 v48, v46;
	v50 =	vshll.u32 v0, $0x10;
	v51 =	vld [tilespmem:s29+$0xFFFFFD80]  }
0x69: {  	v48 =	vadd.f32 v52, v49;
	v2 =	vadd.f32 v54, v2;
	v0 =	vand.u32 $0xFFFF0000, v0;
	v46 =	vld [tilespmem:s29+$0xFFFFFE00]  }
0x6a: {  	v36 =	vadd.f32 v37, v36;
	v37 =	vadd.f32 v41, v40;
	v49 =	vshll.u32 v38, $0x10;
	v52 =	vld [tilespmem:s29+$0xFFFFFE80]  }
0x6b: {  	v41 =	vadd.f32 v45, v42;
	v1 =	vadd.f32 v39, v1;
	v38 =	vand.u32 $0xFFFF0000, v38;
	v40 =	vld [tilespmem:s29+$0xFFFFFF00]  }
0x6c: {  	v42 =	vadd.f32 v44, v43;
	v2 =	vadd.f32 v2, v48;
	v39 =	vshll.u32 v47, $0x10  }
0x6d: {  	v36 =	vadd.f32 v37, v36;
	v1 =	vadd.f32 v1, v41;
	v43 =	vand.u32 $0xFFFF0000, v47;
	v44 =	vld [tilespmem:s29+$0xFFFFFF80]  }
0x6e: {  	v41 =	vshll.u32 v51, $0x10;
	v45 =	vand.u32 $0xFFFF0000, v51;
	v47 =	vshll.u32 v46, $0x10;
	v37 =	vld [tilespmem:s29+$0x0]  }
0x6f: {  	v2 =	vadd.f32 v2, v42;
	v1 =	vadd.f32 v1, v36;
	v46 =	vand.u32 $0xFFFF0000, v46;
	v48 =	vld [tilespmem:s29+$0x80]  }
0x70: {  	s28 =	sadd.s32 $0x100, s28;
	v42 =	vshll.u32 v52, $0x10;
	v51 =	vand.u32 $0xFFFF0000, v52;
	v52 =	vshll.u32 v40, $0x10  }
0x71: {  	s31 =	sand.u32 $0x60, s26;
	s26 =	smov.u32 s30;
	s2 =	sand.u32 $0x400, s28;
	v36 =	vperm.xlane v2, v15;
	v54 =	vperm.xlane v1, v15;
	v53 =	vand.u32 $0xFFFF0000, v40;
	v40 =	vld [tilespmem:s29+$0x100]  }
0x72: {  	s2 =	sor.u32 s31, s2;
	v2 =	vperm.xlane v2, v17;
	v1 =	vperm.xlane v1, v17;
	v55 =	vshll.u32 v44, $0x10  }
0x73: {  	s31 =	sadd.s32 s25, s2;
	v36 =	vsel vm0, v36, v54;
	v44 =	vand.u32 $0xFFFF0000, v44;
	v56 =	vshll.u32 v37, $0x10;
	v57 =	vld [tilespmem:s29+$0x180]  }
0x74: {  	s31 =	sadd.s32 $0x14400, s31;
	v1 =	vsel vm0, v2, v1;
	v54 =	vand.u32 $0xFFFF0000, v37;
	v58 =	vshll.u32 v48, $0x10;
	[tilespmem:v35+s2+$0x14400 ss:$0x1] =	vst.idx.msk $0xffff, v36  }
0x75: {  	v2 =	vmul.f32 v50, v19;
	v36 =	vmul.f32 v0, v19;
	v0 =	vand.u32 $0xFFFF0000, v48;
	v48 =	vld [tilespmem:s29+$0x200];
	[tilespmem:s31+$0x10] =	vst v1  }
0x76: {  	v37 =	vmul.f32 v38, v20;
	v1 =	vmul.f32 v49, v20;
	v49 =	vshll.u32 v40, $0x10  }
0x77: {  	v61 =	vmul.f32 v39, v21;
	v38 =	vmul.f32 v43, v21;
	v43 =	vand.u32 $0xFFFF0000, v40;
	v50 =	vld [tilespmem:s29+$0x280]  }
0x78: {  	v62 =	vmul.f32 v41, v22;
	v39 =	vmul.f32 v45, v22;
	v59 =	vshll.u32 v57, $0x10  }
0x79: {  	v63 =	vmul.f32 v47, v23;
	v40 =	vmul.f32 v46, v23;
	v46 =	vand.u32 $0xFFFF0000, v57;
	v57 =	vld [tilespmem:s29+$0x300]  }
0x7a: {  	v3 =	vmul.f32 v42, v24;
	v41 =	vmul.f32 v51, v24;
	v60 =	vshll.u32 v48, $0x10  }
0x7b: {  	v52 =	vmul.f32 v52, v25;
	v42 =	vmul.f32 v53, v25;
	v4 =	vand.u32 $0xFFFF0000, v48;
	v48 =	vld [tilespmem:s29+$0x380]  }
0x7c: {  	v5 =	vmul.f32 v55, v26;
	v45 =	vmul.f32 v44, v26;
	v44 =	vshll.u32 v50, $0x10  }
0x7d: {  	v6 =	vmul.f32 v56, v27;
	v47 =	vmul.f32 v54, v27;
	v54 =	vand.u32 $0xFFFF0000, v50  }
0x7e: {  	v7 =	vmul.f32 v58, v28;
	v50 =	vmul.f32 v0, v28;
	v0 =	vshll.u32 v57, $0x10  }
0x7f: {  	v8 =	vmul.f32 v49, v30;
	v51 =	vmul.f32 v43, v30;
	v55 =	vand.u32 $0xFFFF0000, v57  }
.Ltmp2:
0x80: {  	v9 =	vmul.f32 v59, v31;
	v53 =	vmul.f32 v46, v31;
	v46 =	vshll.u32 v48, $0x10;
	(pc) =	sbr.rel @p0 .LBB2_4-.Ltmp2, $4  }
0x81: {  	v58 =	vmul.f32 v60, v34;
	v59 =	vmul.f32 v44, v33;
	v57 =	vand.u32 $0xFFFF0000, v48  }
0x82: {  	v43 =	vadd.f32 v1, v2;
	v44 =	vadd.f32 v62, v61;
	v60 =	vmul.f32 v0, v32  }
0x83: {  	v48 =	vadd.f32 v5, v52;
	v61 =	vmul.f32 v46, v29;
	v46 =	vadd.f32 v3, v63  }
0x84: {  	s30 =	sadd.s32 $0x20, s30;
	v49 =	vadd.f32 v7, v6;
	v56 =	vmul.f32 v4, v34;
	s29 =	sadd.s32 $0x10, s29;
	v52 =	vadd.f32 v9, v8  }
0x85: {  	v1 =	vadd.f32 v59, v58;
	v2 =	vadd.f32 v61, v60  }
0x86: {  	v4 =	vadd.f32 v37, v36;
	v5 =	vadd.f32 v39, v38  }
0x87: {  	v0 =	vmul.f32 v54, v33;
	v7 =	vadd.f32 v41, v40;
	v8 =	vadd.f32 v45, v42  }
0x88: {  	v3 =	vmul.f32 v55, v32;
	v9 =	vadd.f32 v50, v47;
	v19 =	vadd.f32 v53, v51  }
0x89: {  	v6 =	vmul.f32 v57, v29;
	v57 =	vadd.f32 v44, v43;
	v20 =	vadd.f32 v48, v46  }
0x8a: {  	v21 =	vadd.f32 v52, v49;
	v0 =	vadd.f32 v0, v56  }
0x8b: {  	v3 =	vadd.f32 v6, v3;
	v1 =	vadd.f32 v2, v1  }
0x8c: {  	v58 =	vadd.f32 v5, v4;
	v59 =	vadd.f32 v8, v7  }
0x8d: {  	v60 =	vadd.f32 v19, v9;
	v0 =	vadd.f32 v3, v0  }
0x8e: {  	v61 =	vadd.f32 v20, v57;
	v1 =	vadd.f32 v1, v21  }
0x8f: {  	v2 =	vadd.f32 v59, v58;
	v0 =	vadd.f32 v0, v60;
	_ =	sdelay $0x1  }
0x90: {  	s24 =	sadd.s32 $0x1, s24;
	v1 =	vadd.f32 v1, v61;
	v0 =	vadd.f32 v0, v2  }
0x91: {  	s2 =	sadd.s32 $0x100, s28;
	p0 =	sne.s32 s24, $0x8  }
.Ltmp3:
0x92: {  	s26 =	sand.u32 $0x60, s26;
	s2 =	sand.u32 $0x400, s2;
	v62 =	vperm.xlane v1, v15;
	v63 =	vperm.xlane v0, v15;
	(pc) =	sbr.rel @p0 .LBB2_3-.Ltmp3, $4  }
0x93: {  	s2 =	sor.u32 s26, s2;
	v1 =	vperm.xlane v1, v17;
	v0 =	vperm.xlane v0, v17  }
0x94: {  	s25 =	sadd.s32 s25, s2;
	v2 =	vsel vm0, v62, v63  }
0x95: {  	s25 =	sadd.s32 $0x14400, s25;
	v0 =	vsel vm0, v1, v0;
	[tilespmem:v35+s2+$0x14400 ss:$0x1] =	vst.idx.msk $0xffff, v2  }
0x96: {  	s23 =	sadd.s32 $0x800, s23;
	[tilespmem:s25+$0x10] =	vst v0  }
0x97: {  	s2 =	sshll.u32 s19, $0xC  }
0x98: {  	s2 =	sadd.s32 s6, s2  }
0x99: {  	s2 =	sshrl.u32 s2, $0x3  }
0x9a: {  	s2 =	sadd.s32 s4, s2  }
0x9b: {  	[hbm4b:s2+s3] =	stream.linear.scatter [tilespmem:s16], [sflag:$0x3], $0x800, $0x38;
	[tilespmem:$0x14C00] =	vst v63  }
0x9c: {  	p0 =	seq.s32 s19, $0x61;
	s31 =	sshll.u32 s19, $0x1;
	_ =	swait.ge [sflag:s10], $0x800  }
0x9d: {  	s21 =	sshrl.u32 @!p0 s21, $0x2;
	s22 =	simm.s32 @!p0 $0x80;
	[sflag:s10] =	ssyncset.done $0x0  }
0x9e: {  	s23 =	simm.s32 @!p0 $0xC400;
	s21 =	sadd.s32 @!p0 $0x100, s21;
	[sflag:s10] =	ssyncadd.s32 $0xFFFFF800  }
0x9f: {  	[tilespmem:s23], [sflag:$0x1] =	stream.indirect.gather @!p0 [hbm4b:s0+s22], $0x80, s21, s22, $0xb8;
	[tilespmem:$0x14C00] =	vst v63  }
0xa0: {  	s21 =	sor.u32 $0x1, s31  }
0xa1: {  	s2 =	sshll.u32 s21, $0x7  }
0xa2: {  	_ =	swait.ge [sflag:s17], $0x4000;
	s2 =	sand.u32 $0x3FFFFF80, s2  }
0xa3: {  	s24 =	simm.s32 $0x0;
	[sflag:s17] =	ssyncset.done $0x0;
	s2 =	sadd.s32 $0x6200, s2  }
0xa4: {  	s22 =	simm.s32 $0x0;
	s23 =	simm.s32 $0x10800;
	[sflag:s17] =	ssyncadd.s32 $0xFFFFC000;
	v18 =	vmov s2  }
.LBB2_7:
0xa5: {  	v1 =	vld [tilespmem:s23+$0xFFFFFC00]  }
0xa6: {  	v50 =	vld [tilespmem:s23+$0xFFFFFC80]  }
0xa7: {  	v52 =	vld [tilespmem:s23+$0xFFFFFD00]  }
0xa8: {  	v54 =	vld [tilespmem:s23+$0xFFFFFD80]  }
0xa9: {  	v56 =	vld [tilespmem:s23+$0xFFFFFE00]  }
0xaa: {  	s2 =	sshll.u32 s24, $0x4;
	v58 =	vld [tilespmem:s23+$0xFFFFFE80]  }
0xab: {  	v2 =	vimm.s32 $0x0;
	v49 =	vimm.s32 $0x1;
	v3 =	vimm.s32 $0x2;
	v7 =	vld [tilespmem:s23+$0xFFFFFF00];
	s2 =	sand.u32 $0x3FFFFFF0, s2  }
0xac: {  	v51 =	vimm.s32 $0x3;
	v4 =	vimm.s32 $0x4;
	v53 =	vimm.s32 $0x5;
	v0 =	vld.idx.msk [tilespmem:v18+s2+$0x0 ss:$0x1], $0xffff  }
0xad: {  	v5 =	vimm.s32 $0x6;
	v55 =	vimm.s32 $0x7;
	v6 =	vimm.s32 $0x8;
	v8 =	vld [tilespmem:s23+$0xFFFFFF80]  }
0xae: {  	v57 =	vimm.s32 $0x9;
	v59 =	vshll.u32 v1, $0x10;
	v1 =	vand.u32 $0xFFFF0000, v1  }
0xaf: {  	v9 =	vld [tilespmem:s23+$0x0];
	v35 =	vshll.u32 v50, $0x10;
	v37 =	vshll.u32 v52, $0x10;
	v38 =	vshll.u32 v54, $0x10  }
0xb0: {  	v39 =	vshll.u32 v56, $0x10;
	v41 =	vshll.u32 v58, $0x10;
	v42 =	vshll.u32 v7, $0x10  }
0xb1: {  	v36 =	vld [tilespmem:s23+$0x80];
	v7 =	vand.u32 $0xFFFF0000, v7;
	v19 =	vperm.xlane v0, v2;
	v20 =	vperm.xlane v0, v49  }
0xb2: {  	v43 =	vshll.u32 v8, $0x10;
	v21 =	vperm.xlane v0, v3;
	v22 =	vperm.xlane v0, v51  }
0xb3: {  	v40 =	vld [tilespmem:s23+$0x100];
	v8 =	vand.u32 $0xFFFF0000, v8;
	v23 =	vperm.xlane v0, v4;
	v24 =	vperm.xlane v0, v53  }
0xb4: {  	v45 =	vshll.u32 v9, $0x10;
	v25 =	vperm.xlane v0, v5;
	v26 =	vperm.xlane v0, v55  }
0xb5: {  	v9 =	vand.u32 $0xFFFF0000, v9;
	v27 =	vperm.xlane v0, v6;
	v28 =	vperm.xlane v0, v57  }
0xb6: {  	v46 =	vshll.u32 v36, $0x10;
	v30 =	vperm.xlane v0, v10;
	v31 =	vperm.xlane v0, v11  }
0xb7: {  	v36 =	vand.u32 $0xFFFF0000, v36;
	v34 =	vperm.xlane v0, v12;
	v33 =	vperm.xlane v0, v13  }
0xb8: {  	v48 =	vshll.u32 v40, $0x10;
	v32 =	vperm.xlane v0, v14;
	v29 =	vperm.xlane v0, v16  }
0xb9: {  	v2 =	vand.u32 $0xFFFF0000, v50;
	v0 =	vmul.f32 v59, v19;
	v1 =	vmul.f32 v1, v19  }
0xba: {  	v60 =	vld [tilespmem:s23+$0x380];
	v3 =	vand.u32 $0xFFFF0000, v52;
	v35 =	vmul.f32 v35, v20;
	v2 =	vmul.f32 v2, v20  }
0xbb: {  	v44 =	vld [tilespmem:s23+$0x180];
	v4 =	vand.u32 $0xFFFF0000, v54;
	v37 =	vmul.f32 v37, v21;
	v3 =	vmul.f32 v3, v21  }
0xbc: {  	v5 =	vand.u32 $0xFFFF0000, v56;
	v38 =	vmul.f32 v38, v22;
	v4 =	vmul.f32 v4, v22  }
0xbd: {  	v47 =	vld [tilespmem:s23+$0x200];
	v6 =	vand.u32 $0xFFFF0000, v58;
	v39 =	vmul.f32 v39, v23;
	v5 =	vmul.f32 v5, v23  }
0xbe: {  	v40 =	vand.u32 $0xFFFF0000, v40;
	v41 =	vmul.f32 v41, v24;
	v6 =	vmul.f32 v6, v24  }
0xbf: {  	v63 =	vshll.u32 v60, $0x10;
	v42 =	vmul.f32 v42, v25;
	v7 =	vmul.f32 v7, v25  }
0xc0: {  	v50 =	vshll.u32 v44, $0x10;
	v43 =	vmul.f32 v43, v26;
	v8 =	vmul.f32 v8, v26  }
0xc1: {  	v44 =	vand.u32 $0xFFFF0000, v44;
	v45 =	vmul.f32 v45, v27;
	v9 =	vmul.f32 v9, v27  }
0xc2: {  	v52 =	vshll.u32 v47, $0x10;
	v46 =	vmul.f32 v46, v28;
	v36 =	vmul.f32 v36, v28  }
0xc3: {  	v49 =	vld [tilespmem:s23+$0x280];
	v47 =	vand.u32 $0xFFFF0000, v47;
	v48 =	vmul.f32 v48, v30;
	v40 =	vmul.f32 v40, v30  }
0xc4: {  	v51 =	vld [tilespmem:s23+$0x300];
	v50 =	vmul.f32 v50, v31;
	v44 =	vmul.f32 v44, v31;
	v0 =	vadd.f32 v35, v0  }
0xc5: {  	s28 =	sadd.s32 $0x10, s23;
	v52 =	vmul.f32 v52, v34;
	v37 =	vadd.f32 v38, v37;
	v39 =	vadd.f32 v41, v39  }
0xc6: {  	v53 =	vld [tilespmem:s28+$0xFFFFFE80];
	v47 =	vmul.f32 v47, v34;
	v42 =	vadd.f32 v43, v42;
	v45 =	vadd.f32 v46, v45  }
0xc7: {  	v35 =	vand.u32 $0xFFFF0000, v60;
	v55 =	vadd.f32 v50, v48;
	v1 =	vadd.f32 v2, v1  }
0xc8: {  	v43 =	vmul.f32 v63, v29;
	v58 =	vadd.f32 v4, v3;
	v5 =	vadd.f32 v6, v5  }
0xc9: {  	s25 =	sshll.u32 s24, $0x7;
	v56 =	vld [tilespmem:s28+$0xFFFFFC00];
	v61 =	vshll.u32 v49, $0x10;
	v49 =	vand.u32 $0xFFFF0000, v49;
	v62 =	vshll.u32 v51, $0x10  }
0xca: {  	v51 =	vand.u32 $0xFFFF0000, v51;
	v60 =	vmul.f32 v35, v29;
	v35 =	vmov s25  }
0xcb: {  	v2 =	vshll.u32 v53, $0x10;
	v38 =	vmul.f32 v61, v33;
	v41 =	vmul.f32 v62, v32  }
0xcc: {  	v59 =	vld [tilespmem:s28+$0xFFFFFC80];
	v49 =	vmul.f32 v49, v33;
	v61 =	vadd.f32 v8, v7;
	v62 =	vadd.f32 v36, v9  }
0xcd: {  	v57 =	vmul.f32 v51, v32;
	v8 =	vadd.f32 v44, v40;
	v0 =	vadd.f32 v37, v0  }
0xce: {  	v40 =	vshll.u32 v56, $0x10;
	v50 =	vadd.f32 v42, v39;
	v1 =	vadd.f32 v58, v1  }
0xcf: {  	v9 =	vld [tilespmem:s28+$0xFFFFFD00];
	v39 =	vand.u32 $0xFFFF0000, v56;
	v38 =	vadd.f32 v38, v52;
	v41 =	vadd.f32 v43, v41  }
0xd0: {  	v51 =	vld [tilespmem:s28+$0xFFFFFE00];
	v2 =	vmul.f32 v2, v24;
	v63 =	vadd.f32 v49, v47;
	v4 =	vadd.f32 v60, v57  }
0xd1: {  	v3 =	vand.u32 $0xFFFF0000, v59;
	v49 =	vld [tilespmem:s28+$0xFFFFFD80];
	v52 =	vadd.f32 v55, v45;
	v54 =	vadd.f32 v61, v5  }
0xd2: {  	v36 =	vmul.f32 v39, v19;
	v55 =	vld [tilespmem:s28+$0xFFFFFF00];
	v56 =	vadd.f32 v8, v62;
	v0 =	vadd.f32 v50, v0  }
0xd3: {  	v57 =	vld [tilespmem:s28+$0xFFFFFF80];
	v37 =	vmul.f32 v3, v20;
	v38 =	vadd.f32 v41, v38;
	v41 =	vshll.u32 v59, $0x10  }
0xd4: {  	v61 =	vld [tilespmem:s28+$0x0];
	v4 =	vadd.f32 v4, v63;
	v1 =	vadd.f32 v54, v1;
	v7 =	vshll.u32 v9, $0x10  }
0xd5: {  	v62 =	vld [tilespmem:s28+$0x80];
	v9 =	vand.u32 $0xFFFF0000, v9;
	v43 =	vshll.u32 v51, $0x10;
	v42 =	vand.u32 $0xFFFF0000, v51  }
0xd6: {  	v41 =	vmul.f32 v41, v20;
	v8 =	vadd.f32 v38, v52;
	v60 =	vadd.f32 v4, v56  }
0xd7: {  	v7 =	vmul.f32 v7, v21;
	v38 =	vmul.f32 v9, v21;
	v4 =	vshll.u32 v49, $0x10  }
0xd8: {  	v6 =	vand.u32 $0xFFFF0000, v49;
	v44 =	vshll.u32 v55, $0x10;
	v5 =	vand.u32 $0xFFFF0000, v55  }
0xd9: {  	v48 =	vshll.u32 v57, $0x10;
	v49 =	vand.u32 $0xFFFF0000, v57;
	v50 =	vshll.u32 v61, $0x10  }
0xda: {  	v47 =	vand.u32 $0xFFFF0000, v61;
	v61 =	vmul.f32 v40, v19;
	v52 =	vand.u32 $0xFFFF0000, v62  }
0xdb: {  	v63 =	vld [tilespmem:s28+$0x100];
	v40 =	vmul.f32 v42, v23;
	v0 =	vadd.f32 v8, v0;
	v4 =	vmul.f32 v4, v22  }
0xdc: {  	v8 =	vand.u32 $0xFFFF0000, v53;
	v39 =	vmul.f32 v6, v22;
	v53 =	vmul.f32 v43, v23  }
0xdd: {  	v51 =	vld [tilespmem:s28+$0x180];
	v1 =	vadd.f32 v60, v1;
	v48 =	vmul.f32 v48, v26;
	v42 =	vmul.f32 v5, v25  }
0xde: {  	v60 =	vshll.u32 v62, $0x10;
	v45 =	vmul.f32 v49, v26;
	v47 =	vmul.f32 v47, v27  }
0xdf: {  	v43 =	vadd.f32 v41, v61;
	v41 =	vmul.f32 v8, v24;
	v8 =	vmul.f32 v44, v25  }
0xe0: {  	v55 =	vld [tilespmem:s28+$0x280];
	v3 =	vshll.u32 v63, $0x10;
	v60 =	vmul.f32 v60, v28;
	v58 =	vperm.xlane v0, v15  }
0xe1: {  	v62 =	vld [tilespmem:s28+$0x200];
	v9 =	vand.u32 $0xFFFF0000, v63;
	v59 =	vperm.xlane v1, v15;
	v0 =	vperm.xlane v0, v17  }
0xe2: {  	v1 =	vperm.xlane v1, v17;
	v63 =	vshll.u32 v51, $0x10;
	v44 =	vadd.f32 v4, v7  }
0xe3: {  	v57 =	vand.u32 $0xFFFF0000, v51;
	v46 =	vadd.f32 v2, v53;
	v48 =	vadd.f32 v48, v8;
	v8 =	vld [tilespmem:s28+$0x380]  }
0xe4: {  	v3 =	vmul.f32 v3, v30;
	v51 =	vmul.f32 v9, v30;
	v56 =	vsel vm0, v58, v59;
	v58 =	vld [tilespmem:s28+$0x300]  }
0xe5: {  	v6 =	vmul.f32 v63, v31;
	v0 =	vsel vm0, v0, v1;
	v59 =	vmul.f32 v50, v27  }
0xe6: {  	v54 =	vand.u32 $0xFFFF0000, v55;
	v50 =	vmul.f32 v52, v28;
	v61 =	vshll.u32 v62, $0x10  }
0xe7: {  	s31 =	sand.u32 $0x60, s22;
	s26 =	sand.u32 $0x400, s22;
	v5 =	vand.u32 $0xFFFF0000, v62;
	v62 =	vshll.u32 v55, $0x10;
	v52 =	vadd.f32 v6, v3  }
0xe8: {  	s2 =	sor.u32 s31, s26;
	v49 =	vadd.f32 v60, v59;
	v59 =	vmul.f32 v62, v33;
	v6 =	vshll.u32 v8, $0x10  }
0xe9: {  	s29 =	sadd.s32 s25, s2;
	v63 =	vshll.u32 v58, $0x10;
	v55 =	vand.u32 $0xFFFF0000, v58;
	v58 =	vmul.f32 v61, v34  }
0xea: {  	s30 =	simm.s32 $0x40;
	s29 =	sadd.s32 $0x14400, s29;
	[tilespmem:v35+s2+$0x14400 ss:$0x1] =	vst.idx.msk $0xffff, v56;
	v61 =	vmul.f32 v6, v29;
	v60 =	vmul.f32 v63, v32  }
0xeb: {  	s26 =	simm.s32 $0x20;
	v53 =	vmul.f32 v57, v31;
	[tilespmem:s29+$0x10] =	vst v0;
	v56 =	vmul.f32 v5, v34;
	s29 =	sadd.s32 $0x10, s28;
	s28 =	simm.s32 $0x0;
	v57 =	vand.u32 $0xFFFF0000, v8  }
.LBB2_8:
0xec: {  	v0 =	vld [tilespmem:s29+$0xFFFFFC00];
	p1 =	sne.s32 s30, $0xE0;
	v1 =	vmul.f32 v54, v33;
	v2 =	vadd.f32 v59, v58;
	v3 =	vadd.f32 v61, v60  }
0xed: {  	v4 =	vmul.f32 v55, v32;
	v5 =	vadd.f32 v37, v36;
	v6 =	vadd.f32 v39, v38  }
0xee: {  	v8 =	vmul.f32 v57, v29;
	v9 =	vadd.f32 v41, v40;
	v36 =	vadd.f32 v45, v42;
	v7 =	vld [tilespmem:s29+$0xFFFFFC80]  }
0xef: {  	v37 =	vadd.f32 v50, v47;
	v38 =	vadd.f32 v53, v51  }
0xf0: {  	v1 =	vadd.f32 v1, v56;
	v4 =	vadd.f32 v8, v4;
	v39 =	vld [tilespmem:s29+$0xFFFFFD00]  }
0xf1: {  	v41 =	vadd.f32 v44, v43;
	v42 =	vadd.f32 v48, v46;
	v8 =	vshll.u32 v0, $0x10;
	v40 =	vld [tilespmem:s29+$0xFFFFFD80]  }
0xf2: {  	v44 =	vadd.f32 v52, v49;
	v2 =	vadd.f32 v3, v2;
	v0 =	vand.u32 $0xFFFF0000, v0;
	v43 =	vld [tilespmem:s29+$0xFFFFFE00]  }
0xf3: {  	v5 =	vadd.f32 v6, v5;
	v6 =	vadd.f32 v36, v9;
	v3 =	vshll.u32 v7, $0x10;
	v45 =	vld [tilespmem:s29+$0xFFFFFE80]  }
0xf4: {  	v36 =	vadd.f32 v38, v37;
	v1 =	vadd.f32 v4, v1;
	v7 =	vand.u32 $0xFFFF0000, v7;
	v9 =	vld [tilespmem:s29+$0xFFFFFF00]  }
0xf5: {  	v37 =	vadd.f32 v42, v41;
	v2 =	vadd.f32 v2, v44;
	v4 =	vshll.u32 v39, $0x10  }
0xf6: {  	v5 =	vadd.f32 v6, v5;
	v1 =	vadd.f32 v1, v36;
	v38 =	vand.u32 $0xFFFF0000, v39;
	v39 =	vld [tilespmem:s29+$0xFFFFFF80]  }
0xf7: {  	v6 =	vshll.u32 v40, $0x10;
	v40 =	vand.u32 $0xFFFF0000, v40;
	v41 =	vshll.u32 v43, $0x10;
	v36 =	vld [tilespmem:s29+$0x0]  }
0xf8: {  	v2 =	vadd.f32 v2, v37;
	v1 =	vadd.f32 v1, v5;
	v42 =	vand.u32 $0xFFFF0000, v43;
	v43 =	vld [tilespmem:s29+$0x80]  }
0xf9: {  	s28 =	sadd.s32 $0x100, s28;
	v5 =	vshll.u32 v45, $0x10;
	v44 =	vand.u32 $0xFFFF0000, v45;
	v45 =	vshll.u32 v9, $0x10  }
0xfa: {  	s2 =	sand.u32 $0x60, s26;
	s26 =	smov.u32 s30;
	s31 =	sand.u32 $0x400, s28;
	v37 =	vperm.xlane v2, v15;
	v47 =	vperm.xlane v1, v15;
	v9 =	vand.u32 $0xFFFF0000, v9;
	v46 =	vld [tilespmem:s29+$0x100]  }
0xfb: {  	s2 =	sor.u32 s2, s31;
	v2 =	vperm.xlane v2, v17;
	v1 =	vperm.xlane v1, v17;
	v48 =	vshll.u32 v39, $0x10  }
0xfc: {  	s31 =	sadd.s32 s25, s2;
	v37 =	vsel vm0, v37, v47;
	v49 =	vand.u32 $0xFFFF0000, v39;
	v50 =	vshll.u32 v36, $0x10;
	v51 =	vld [tilespmem:s29+$0x180]  }
0xfd: {  	s31 =	sadd.s32 $0x14400, s31;
	v1 =	vsel vm0, v2, v1;
	v47 =	vand.u32 $0xFFFF0000, v36;
	v52 =	vshll.u32 v43, $0x10;
	[tilespmem:v35+s2+$0x14400 ss:$0x1] =	vst.idx.msk $0xffff, v37  }
0xfe: {  	v2 =	vmul.f32 v8, v19;
	v36 =	vmul.f32 v0, v19;
	v0 =	vand.u32 $0xFFFF0000, v43;
	v8 =	vld [tilespmem:s29+$0x200];
	[tilespmem:s31+$0x10] =	vst v1  }
0xff: {  	v37 =	vmul.f32 v7, v20;
	v1 =	vmul.f32 v3, v20;
	v3 =	vshll.u32 v46, $0x10  }
0x100: {  	v4 =	vmul.f32 v4, v21;
	v38 =	vmul.f32 v38, v21;
	v7 =	vand.u32 $0xFFFF0000, v46;
	v43 =	vld [tilespmem:s29+$0x280]  }
0x101: {  	v6 =	vmul.f32 v6, v22;
	v39 =	vmul.f32 v40, v22;
	v46 =	vshll.u32 v51, $0x10  }
0x102: {  	v56 =	vmul.f32 v41, v23;
	v40 =	vmul.f32 v42, v23;
	v53 =	vand.u32 $0xFFFF0000, v51;
	v55 =	vld [tilespmem:s29+$0x300]  }
0x103: {  	v5 =	vmul.f32 v5, v24;
	v41 =	vmul.f32 v44, v24;
	v44 =	vshll.u32 v8, $0x10  }
0x104: {  	v62 =	vmul.f32 v45, v25;
	v42 =	vmul.f32 v9, v25;
	v8 =	vand.u32 $0xFFFF0000, v8;
	v9 =	vld [tilespmem:s29+$0x380]  }
0x105: {  	v48 =	vmul.f32 v48, v26;
	v45 =	vmul.f32 v49, v26;
	v49 =	vshll.u32 v43, $0x10  }
0x106: {  	v63 =	vmul.f32 v50, v27;
	v47 =	vmul.f32 v47, v27;
	v54 =	vand.u32 $0xFFFF0000, v43  }
0x107: {  	v52 =	vmul.f32 v52, v28;
	v50 =	vmul.f32 v0, v28;
	v0 =	vshll.u32 v55, $0x10  }
0x108: {  	v3 =	vmul.f32 v3, v30;
	v51 =	vmul.f32 v7, v30;
	v55 =	vand.u32 $0xFFFF0000, v55  }
.Ltmp4:
0x109: {  	v7 =	vmul.f32 v46, v31;
	v53 =	vmul.f32 v53, v31;
	v46 =	vshll.u32 v9, $0x10;
	(pc) =	sbr.rel @p1 .LBB2_8-.Ltmp4, $4  }
0x10a: {  	v58 =	vmul.f32 v44, v34;
	v59 =	vmul.f32 v49, v33;
	v57 =	vand.u32 $0xFFFF0000, v9  }
0x10b: {  	v44 =	vadd.f32 v6, v4;
	v43 =	vadd.f32 v1, v2;
	v60 =	vmul.f32 v0, v32  }
0x10c: {  	v48 =	vadd.f32 v48, v62;
	v61 =	vmul.f32 v46, v29;
	v46 =	vadd.f32 v5, v56  }
0x10d: {  	s30 =	sadd.s32 $0x20, s30;
	s29 =	sadd.s32 $0x10, s29;
	v49 =	vadd.f32 v52, v63;
	v52 =	vadd.f32 v7, v3;
	v56 =	vmul.f32 v8, v34  }
0x10e: {  	v1 =	vadd.f32 v59, v58;
	v2 =	vadd.f32 v61, v60  }
0x10f: {  	v4 =	vadd.f32 v37, v36;
	v5 =	vadd.f32 v39, v38  }
0x110: {  	v0 =	vmul.f32 v54, v33;
	v7 =	vadd.f32 v41, v40;
	v8 =	vadd.f32 v45, v42  }
0x111: {  	v3 =	vmul.f32 v55, v32;
	v9 =	vadd.f32 v50, v47;
	v19 =	vadd.f32 v53, v51  }
0x112: {  	v6 =	vmul.f32 v57, v29;
	v57 =	vadd.f32 v44, v43;
	v20 =	vadd.f32 v48, v46  }
0x113: {  	v21 =	vadd.f32 v52, v49;
	v0 =	vadd.f32 v0, v56  }
0x114: {  	v3 =	vadd.f32 v6, v3;
	v1 =	vadd.f32 v2, v1  }
0x115: {  	v58 =	vadd.f32 v5, v4;
	v59 =	vadd.f32 v8, v7  }
0x116: {  	v60 =	vadd.f32 v19, v9;
	v0 =	vadd.f32 v3, v0  }
0x117: {  	v61 =	vadd.f32 v20, v57;
	v1 =	vadd.f32 v1, v21  }
0x118: {  	v2 =	vadd.f32 v59, v58;
	v0 =	vadd.f32 v0, v60;
	_ =	sdelay $0x1  }
0x119: {  	s24 =	sadd.s32 $0x1, s24;
	v1 =	vadd.f32 v1, v61;
	v0 =	vadd.f32 v0, v2  }
0x11a: {  	s2 =	sadd.s32 $0x100, s28;
	p1 =	sne.s32 s24, $0x8  }
.Ltmp5:
0x11b: {  	s26 =	sand.u32 $0x60, s26;
	s2 =	sand.u32 $0x400, s2;
	v62 =	vperm.xlane v1, v15;
	v63 =	vperm.xlane v0, v15;
	(pc) =	sbr.rel @p1 .LBB2_7-.Ltmp5, $4  }
0x11c: {  	s2 =	sor.u32 s26, s2;
	v1 =	vperm.xlane v1, v17;
	v0 =	vperm.xlane v0, v17  }
0x11d: {  	s25 =	sadd.s32 s25, s2;
	v2 =	vsel vm0, v62, v63  }
0x11e: {  	s25 =	sadd.s32 $0x14400, s25;
	v0 =	vsel vm0, v1, v0;
	[tilespmem:v35+s2+$0x14400 ss:$0x1] =	vst.idx.msk $0xffff, v2  }
0x11f: {  	s23 =	sadd.s32 $0x800, s23;
	[tilespmem:s25+$0x10] =	vst v0  }
0x120: {  	s2 =	sadd.s32 s8, s21  }
0x121: {  	s2 =	sshll.u32 s2, $0x8  }
0x122: {  	s2 =	sand.u32 $0x1FFFFF00, s2  }
.Ltmp6:
0x123: {  	s2 =	sadd.s32 s4, s2;
	(pc) =	sbr.rel @p0 .LBB2_12-.Ltmp6, $4  }
0x124: {  	[hbm4b:s2+s3] =	stream.linear.scatter [tilespmem:s16], [sflag:$0x3], $0x800, $0x38;
	[tilespmem:$0x14C00] =	vst v63  }
0x125: {  	_ =	swait.ge [sflag:s10], $0x800  }
0x126: {  	[sflag:s10] =	ssyncset.done $0x0  }
0x127: {  	[sflag:s10] =	ssyncadd.s32 $0xFFFFF800  }
.Ltmp7:
0x128: {  	(pc) =	sbr.rel .LBB2_2-.Ltmp7, $3  }
0x129: {  	_ =	sdelay $0x1  }
0x12a: {  	s2 =	sadd.s32 $0x180, s20;
	s19 =	sadd.s32 $0x1, s19  }
0x12b: {  	[tilespmem:s14], [sflag:$0x2] =	stream.indirect.gather [hbm4b:s0+s12], $0x80, s2, s12, $0xb8;
	[tilespmem:$0x14C00] =	vst v63  }
.LBB2_13:
0x12c: {  	_ =	sfence.sel $0x180000  }
0x12d: {  	[bflag:$0x0] =	sbarrier.arrive $0xFFFF  }
0x12e: {  	_ =	strace $0x90000047  }
0x12f: {  	[bflag:$0x2] =	sbarrier.arrive $0xFFFF  }
0x130: {  	p0 =	sne.s32 s1, $0x0;
	s0 =	rddreg [dreg:$0x2]  }
0x131: {  	s0 =	sadd.s32 @!p0 $0x100000, s0  }
0x132: {  	[sflag:s0] =	ssyncadd.tile.s32 @!p0 $0x1;
	_ =	shalt  }
.Lfunc_end2:
_tile_overlayer_lowered:
.L_overlay_start_2:
0x133: {  	(tag) =	ssettag $0x2  }
0x134: {  	s0 =	rddreg [dreg:$0x0];
	s2 =	stileid.u32  }
0x135: {  	s1 =	rddreg [dreg:$0x1];
	p0 =	sne.s32 s2, $0x0  }
0x136: {  	s3 =	rddreg [dreg:$0x2];
	[bflag:$0x3] =	sbarrier.arrive $0xFFFF;
	s2 =	simm.s32 @!p0 $0x1C03  }
0x137: {  	[timem:s3], [sflag:s2] =	dma.local @!p0 [hbm:s0], s1  }
0x138: {  	s0 =	simm.s32 @!p0 $0x3  }
0x139: {  	_ =	swait.ge @!p0 [sflag:s0], s1  }
0x13a: {  	s1 =	ssub.s32 @!p0 $0x0, s1;
	[sflag:s0] =	ssyncset.done @!p0 $0x0  }
0x13b: {  	[sflag:s0] =	ssyncadd.s32 @!p0 s1  }
0x13c: {  	[bflag:$0x3] =	sbarrier.arrive $0xFFFF  }
0x13d: {  	_ =	shalt  }

// kernel: sparse-core-data-format-call.cloned.1.call-start
scs
called_computation_lowered:
.L_overlay_start_0:
0x0: {  	s2 =	sld [smem:$0x3FD9]  }
0x1: {  	s3 =	sld [smem:$0x3FFE];
	_ =	sdelay $0x1  }
0x2: {  	s1 =	srdreg.scid  }
0x3: {  	s0 =	sand.u32 $0x1, s1  }
0x4: {  	s18 =	sshll.u32 s0, $0xA;
	s2 =	sadd.s32 s3, s2  }
0x5: {  	s2 =	sadd.s32 s2, s18  }
0x6: {  	[smem:$0x3FC5] =	sst s2  }
0x7: {  	_ = 	snop  }
0x8: {  	s2 =	sld [smem:$0x3FD0];
	(tm) =	ssettm $0x1  }
0x9: {  	s19 =	sld [smem:$0x3FFB];
	_ =	sdelay $0x3  }
0xa: {  	_ =	strace s19  }
0xb: {  	s3 =	sld [smem:$0x3FFC];
	_ =	sdelay $0x3  }
0xc: {  	_ =	strace s3  }
0xd: {  	s3 =	sld [smem:$0x3FFD];
	_ =	sdelay $0x3  }
0xe: {  	_ =	strace s3  }
0xf: {  	_ =	strace $0x8FFFFFFF  }
0x10: {  	s20 =	sld [smem:$0x3FDB];
	_ =	sdelay $0x1  }
0x11: {  	s4 =	simm.s32 $_scs_section_size  }
0x12: {  	s5 =	simm.s32 $_size__tile_overlayer_lowered;
	s6 =	simm.s32 $_tile_overlayer_lowered  }
0x13: {  	s23 =	simm.s32 $0x1BFF;
	s22 =	sshll.u32 s6, $0x1;
	s3 =	sadd.s32 s4, s20  }
0x14: {  	s7 =	simm.s32 $0x0;
	s21 =	sshll.u32 s5, $0x1;
	s5 =	sadd.s32 s22, s3  }
0x15: {  	[timem:s7], [sflag:s23] =	dma.local [hbm:s5], s21  }
0x16: {  	_ =	swait.ge [sflag:s23], s21  }
0x17: {  	s4 =	ssub.s32 $0x0, s21;
	[sflag:s23] =	ssyncset.done $0x0  }
0x18: {  	[sflag:s23] =	ssyncadd.s32 s4;
	_ =	sdelay $0x1  }
0x19: {  	s24 =	simm.s32 $0x1B8B  }
0x1a: {  	_ =	swait.ge [sflag:s24], $0x1  }
0x1b: {  	[sflag:s24] =	ssyncset.done $0x0  }
0x1c: {  	s26 =	simm.s32 $0x1B8E;
	s25 =	sld [smem:$0x3FFE];
	[sflag:s24] =	ssyncadd.s32 $0xFFFFFFFF  }
0x1d: {  	s27 =	simm.s32 $execute0_lowered;
	[smem:$0x3FD2] =	sst s26  }
0x1e: {  	s5 =	sshll.u32 s27, $0x1;
	_ =	strace $0x80000049;
	[dreg:$0x1] =	wrdreg $0xFFFFFFFF  }
0x1f: {  	s28 =	simm.s32 $_size_execute0_lowered;
	s3 =	sadd.s32 s3, s5;
	[dreg:$0x0] =	wrdreg $0x0  }
0x20: {  	s5 =	sshll.u32 s28, $0x1;
	[dreg:$0x2] =	wrdreg s3  }
0x21: {  	[dreg:$0x3] =	wrdreg s5  }
0x22: {  	[dreg:$0x4] =	wrdreg $0xC0  }
0x23: {  	_ =	task [dreg:s7], $0x5FFFF  }
0x24: {  	[dreg:$0x1] =	wrdreg $0xFFFFFFFF  }
0x25: {  	[dreg:$0x0] =	wrdreg $0x60  }
0x26: {  	[dreg:$0x2] =	wrdreg s25  }
0x27: {  	[dreg:$0x3] =	wrdreg s2  }
0x28: {  	[dreg:$0x4] =	wrdreg $0x9  }
0x29: {  	_ =	task.clear_ibuf [dreg:s7], $0x5FFFF;
	_ =	strace $0x90000049  }
0x2a: {  	s29 =	simm.s32 $0x9;
	_ =	strace $0x8000004B  }
0x2b: {  	_ =	swait.ge [sflag:s29], $0x1  }
0x2c: {  	[sflag:s29] =	ssyncadd.s32 $0xFFFFFFFF  }
0x2d: {  	_ =	strace $0x9000004B  }
0x2e: {  	_ =	sfence  }
0x2f: {  	s30 =	sld [smem:$0x0];
	_ =	sdelay $0x2  }
0x30: {  	s31 =	sshll.u32 s1, $0xD;
	s1 =	sshrl.u32 s1, $0x2  }
0x31: {  	s3 =	sand.u32 $0x4000, s31;
	s1 =	sadd.s32 s1, s30  }
0x32: {  	s0 =	sor.u32 s3, s0;
	s1 =	sshll.u32 s1, $0x11  }
0x33: {  	s0 =	sor.u32 s1, s0  }
0x34: {  	s0 =	sadd.s32 $0x8F2B, s0  }
0x35: {  	[sflag:s0] =	ssyncadd.remote.s32 $0x1  }
0x36: {  	_ =	sfence.sel $0xFFFF  }
0x37: {  	[dreg:$0x0] =	wrdreg $0xFFFFFFFF;
	(pc) =	sbr.abs _section_cstart, $3  }
0x38: {  	[dreg:$0x1] =	wrdreg $0xFFFFFFFF  }
0x39: {  	_ =	task.clear_ibuf [dreg:s7], $0x2FFFF;
	_ =	strace $0x9FFFFFFF  }
0x3a: {  	(tm) =	ssettm $0x7FFFFFFF  }
0x3b: {  	_ =	shalt  }
tec
execute0_lowered:
.L_overlay_start_1:
0x0: {  	(tag) =	ssettag $0x1  }
0x1: {  	s0 =	srdreg.scid;
	s2 =	rddreg [dreg:$0x0]  }
0x2: {  	s6 =	stileid.u32;
	s4 =	simm.s32 $0x19;
	_ =	strace $0x8000004A  }
0x3: {  	s31 =	simm.s32 $0x2;
	s20 =	simm.s32 $0x0;
	s12 =	simm.s32 $0x800  }
0x4: {  	s13 =	simm.s32 $0x0;
	s19 =	simm.s32 $0x0;
	s0 =	sshll.u32 s0, $0x7  }
0x5: {  	s21 =	simm.s32 $0x0;
	s14 =	simm.s32 $0x0;
	s3 =	sand.u32 $0x80, s0  }
0x6: {  	s15 =	simm.s32 $0x0;
	s5 =	sshrl.u32 s6, $0x3;
	s0 =	ssub.s32 $0x100, s3  }
0x7: {  	s30 =	sshll.u32 s6, $0x7;
	p0 =	seq.s32 s5, $0x0;
	s1 =	sshrl.u32 s0, $0x7  }
.Ltmp0:
0x8: {  	s0 =	sshrl.u32 s0, $0x8;
	s1 =	sand.u32 $0x1, s1;
	(pc) =	sbr.rel .LBB1_1-.Ltmp0, $4  }
0x9: {  	s6 =	simm.s32 $0x1;
	s4 =	simm.s32 @!p0 $0x18;
	s0 =	sadd.s32 s0, s1  }
0xa: {  	s18 =	simm.s32 $0x0;
	[sflag:s6] =	ssyncpa.u1 $0x0;
	s7 =	smul.u32 s4, s0  }
0xb: {  	s8 =	sand.u32 $0x380, s30;
	s16 =	smov.u32 s5;
	[sflag:s31] =	ssyncpa.u1 $0x0  }
0xc: {  	s9 =	sshll.u32 s3, $0x3;
	s17 =	smov.u32 s8;
	s10 =	sadd.s32 $0x1, s7  }
.LBB1_9:
0xd: {  	s0 =	sshll.u32 s15, $0x8  }
0xe: {  	s1 =	sshll.u32 s21, $0x3;
	s4 =	sshll.u32 s15, $0x7;
	s0 =	sand.u32 $0xFFFFF800, s0  }
0xf: {  	s24 =	sand.u32 $0x300, s4;
	s0 =	sor.u32 s0, s1  }
0x10: {  	p0 =	sgt.s32 s14, $0x30;
	s0 =	sor.u32 s24, s0  }
0x11: {  	s26 =	smul.u32 $0x7D00, s14;
	s1 =	smov.u32 s14;
	s0 =	sshrl.u32 s0, $0x8  }
0x12: {  	s1 =	simm.s32 @!p0 $0x30;
	s25 =	smulhi.u32 $0x83126F, s0  }
0x13: {  	s27 =	sshll.u32 s15, $0x4;
	s28 =	sshll.u32 s18, $0xE;
	s1 =	sadd.s32 s22, s1  }
0x14: {  	s29 =	rddreg [dreg:$0x1];
	s11 =	sadd.s32 $0xFFFFFFD0, s1;
	s4 =	sshrl.u32 s25, $0x1  }
0x15: {  	s1 =	ssub.s32 $0x31, s1;
	p0 =	sgt.s32 s11, $0x0;
	s4 =	smul.u32 $0x3E8, s4  }
0x16: {  	s31 =	simm.s32 $0x400;
	s11 =	sadd.s32 s29, s26;
	s1 =	simm.s32 @p0 $0x0  }
0x17: {  	s1 =	smul.u32 s1, s23;
	s0 =	ssub.s32 s0, s4;
	s4 =	sand.u32 $0x10, s27  }
0x18: {  	s21 =	sand.u32 $0x4000, s28;
	s0 =	sshll.u32 s0, $0x5;
	s4 =	sadd.s32 s4, s11  }
0x19: {  	s30 =	sor.u32 $0x8000, s21;
	s1 =	sand.u32 $0x3FFFFF80, s1;
	s0 =	sadd.s32 s0, s4  }
0x1a: {  	[hbm4b:s0+s31] =	stream.strided.scatter [tilespmem:s30], [sflag:$0x2], s1, s12, s31, $0x38;
	[tilespmem:$0x10000] =	vst v63  }
.LBB1_10:
0x1b: {  	p0 =	slt.u32 s18, $0x2  }
0x1c: {  	p1 =	sgt.s32 @!p0 s20, $0x30  }
0x1d: {  	s0 =	smov.u32 s20;
	s4 =	smov.u32 s19;
	p1 =	por !p1, p0  }
0x1e: {  	s1 =	sshra.s32 @!p0 s20, $0x1F;
	s0 =	simm.s32 @p1 $0x30;
	p1 =	sgt.s32 @!p0 s19, $0x368  }
0x1f: {  	s11 =	sshra.s32 @!p0 s19, $0x1F;
	s1 =	sand.u32 @!p0 s1, s20;
	p1 =	por !p1, p0  }
0x20: {  	s0 =	ssub.s32 @!p0 s0, s1;
	s1 =	sand.u32 @!p0 s11, s19;
	s4 =	simm.s32 @p1 $0x368  }
0x21: {  	s1 =	ssub.s32 @!p0 s4, s1  }
0x22: {  	s11 =	sadd.s32 @!p0 $0xFFFFFFD0, s0;
	s0 =	ssub.s32 @!p0 $0x31, s0;
	s1 =	sadd.s32 @!p0 $0xFFFFFC98, s1  }
0x23: {  	p1 =	sgt.s32 @!p0 s11, $0x0;
	p2 =	sgt.s32 @!p0 s1, $0x7F;
	s1 =	sshll.u32 @!p0 s1, $0x7  }
0x24: {  	p1 =	por !p1, p0;
	s1 =	ssub.s32 @!p0 $0x4000, s1;
	p2 =	por !p2, p0  }
0x25: {  	s0 =	simm.s32 @!p1 $0x0;
	s1 =	simm.s32 @!p2 $0x0  }
0x26: {  	s0 =	smul.u32 @!p0 s0, s1;
	s1 =	sadd.s32 $0x2, s16  }
0x27: {  	s22 =	smov.u32 s17;
	s11 =	sadd.s32 $0x400, s17;
	p1 =	sgt.s32 s1, $0x30  }
0x28: {  	s22 =	smov.u32 @p1 s11  }
0x29: {  	s1 =	smov.u32 @p1 s5;
	p1 =	sgt.s32 s22, $0x3E7  }
0x2a: {  	s13 =	sadd.s32 $0x4000, s13;
	s22 =	smov.u32 @p1 s8;
	p1 =	sne.s32 s18, s10  }
.Ltmp1:
0x2b: {  	s21 =	smov.u32 s3;
	s20 =	smov.u32 s14;
	(pc) =	sbr.rel @!p1 .LBB1_11-.Ltmp1, $4  }
0x2c: {  	s14 =	smov.u32 s16;
	s4 =	simm.s32 @!p0 $0x2;
	s0 =	sand.u32 @!p0 $0x3FFFFF80, s0  }
0x2d: {  	s19 =	smov.u32 s15;
	s15 =	smov.u32 s17;
	_ =	swait.ge @!p0 [sflag:s4], s0  }
0x2e: {  	s0 =	ssub.s32 @!p0 $0x0, s0;
	s16 =	smov.u32 s1;
	[sflag:s4] =	ssyncset.done @!p0 $0x0  }
0x2f: {  	s18 =	sadd.s32 $0x1, s18;
	[sflag:s4] =	ssyncadd.s32 @!p0 s0;
	s17 =	smov.u32 s22  }
.LBB1_1:
0x30: {  	p0 =	sge.u32 s18, s7;
	s11 =	smov.u32 s17;
	s31 =	sadd.s32 $0xFFFFFFFF, s18  }
0x31: {  	s0 =	sshll.u32 @!p0 s16, $0x8;
	s1 =	sshll.u32 @!p0 s16, $0x7;
	p1 =	sgt.s32 @!p0 s17, $0x368  }
0x32: {  	p2 =	sgt.s32 @!p0 s16, $0x37;
	s4 =	sshra.s32 @!p0 s16, $0x1F;
	s22 =	sshra.s32 @!p0 s17, $0x1F  }
0x33: {  	s0 =	sand.u32 @!p0 $0xFFFFF800, s0;
	s1 =	sand.u32 @!p0 $0x300, s1;
	p1 =	por !p1, p0  }
0x34: {  	p2 =	por !p2, p0;
	s22 =	sand.u32 @!p0 s22, s17;
	s0 =	sor.u32 @!p0 s9, s0  }
0x35: {  	s11 =	simm.s32 @p1 $0x368;
	s0 =	sor.u32 @!p0 s1, s0;
	s1 =	smov.u32 s16  }
0x36: {  	s4 =	sand.u32 @!p0 s4, s16;
	s11 =	ssub.s32 @!p0 s11, s22;
	s1 =	simm.s32 @p2 $0x37  }
0x37: {  	s0 =	sshrl.u32 @!p0 s0, $0x8;
	s11 =	sadd.s32 @!p0 $0xFFFFFC98, s11;
	s1 =	ssub.s32 @!p0 s1, s4  }
0x38: {  	s4 =	smulhi.u32 @!p0 $0x4924925, s0;
	p2 =	sgt.s32 @!p0 s11, $0x7F;
	s22 =	sadd.s32 @!p0 $0xFFFFFFC9, s1  }
0x39: {  	s11 =	sshll.u32 @!p0 s11, $0x7;
	s1 =	ssub.s32 @!p0 $0x38, s1;
	p1 =	sgt.s32 @!p0 s22, $0x0  }
0x3a: {  	s11 =	ssub.s32 @!p0 $0x4000, s11;
	s4 =	smul.u32 @!p0 $0x38, s4;
	p1 =	por !p1, p0  }
0x3b: {  	s22 =	sxor.u32 @!p0 $0xFFFFFFFF, s18;
	s1 =	simm.s32 @!p1 $0x0;
	p1 =	por !p2, p0  }
0x3c: {  	s0 =	ssub.s32 @!p0 s0, s4;
	s4 =	smul.u32 @!p0 $0x700, s17;
	s11 =	simm.s32 @!p1 $0x0  }
0x3d: {  	s22 =	sshll.u32 @!p0 s22, $0xE;
	s1 =	smul.u32 @!p0 s1, s11;
	s11 =	sshll.u32 @!p0 s16, $0x4  }
0x3e: {  	s22 =	sand.u32 @!p0 $0x4000, s22;
	s4 =	sadd.s32 @!p0 s2, s4;
	s11 =	sand.u32 @!p0 $0x10, s11  }
0x3f: {  	s0 =	sshll.u32 @!p0 s0, $0x5;
	s1 =	sand.u32 @!p0 $0x3FFFFF80, s1;
	s4 =	sadd.s32 @!p0 s11, s4  }
0x40: {  	s11 =	simm.s32 @!p0 $0x3800;
	s0 =	sadd.s32 @!p0 s0, s4;
	s4 =	simm.s32 @!p0 $0x80  }
0x41: {  	[tilespmem:s22], [sflag:$0x1] =	stream.strided.gather @!p0 [hbm4b:s0+s4], s1, s11, s4, $0x38;
	[tilespmem:$0x10000] =	vst v63  }
0x42: {  	p0 =	sge.u32 s31, s7  }
.Ltmp2:
0x43: {  	_ = 	snop;
	(pc) =	sbr.rel @p0 .LBB1_10-.Ltmp2, $1  }
0x44: {  	_ =	sdelay $0x3  }
0x45: {  	p0 =	sgt.s32 s15, $0x368;
	s0 =	smov.u32 s15;
	s1 =	sshra.s32 s15, $0x1F  }
0x46: {  	s4 =	ssub.s32 $0x0, s14;
	s0 =	simm.s32 @!p0 $0x368;
	s1 =	sand.u32 s1, s15  }
0x47: {  	s11 =	sshra.s32 s14, $0x1F;
	s23 =	smov.u32 s14;
	s0 =	ssub.s32 s0, s1  }
0x48: {  	p0 =	sgt.s32 s14, $0x37;
	s22 =	sand.u32 s4, s11;
	s0 =	sadd.s32 $0xFFFFFC98, s0  }
0x49: {  	s23 =	simm.s32 @!p0 $0x37;
	p0 =	sgt.s32 s0, $0x7F;
	s0 =	sshll.u32 s0, $0x7  }
0x4a: {  	s29 =	sadd.s32 s22, s23;
	s23 =	ssub.s32 $0x4000, s0;
	s0 =	sadd.s32 $0x80, s15  }
0x4b: {  	s4 =	sadd.s32 $0x1, s14;
	s23 =	simm.s32 @p0 $0x0;
	p0 =	slt.s32 s0, $0x3E8  }
0x4c: {  	s30 =	sadd.s32 $0xFFFFFFC9, s29;
	s0 =	simm.s32 @!p0 $0x3E8;
	p0 =	slt.s32 s4, $0x31  }
0x4d: {  	s1 =	ssub.s32 $0x38, s29;
	s24 =	ssub.s32 s0, s15;
	s4 =	simm.s32 @!p0 $0x31  }
0x4e: {  	p1 =	sgt.s32 s30, $0x0;
	s25 =	ssub.s32 s4, s14;
	p0 =	slt.s32 s24, $0x1  }
0x4f: {  	s1 =	simm.s32 @p1 $0x0;
	p1 =	slt.s32 @!p0 s25, $0x1  }
0x50: {  	s1 =	smul.u32 s1, s23;
	p0 =	por p0, p1  }
.Ltmp3:
0x51: {  	_ = 	snop;
	(pc) =	sbr.rel @p0 .LBB1_9-.Ltmp3, $4  }
0x52: {  	s31 =	sand.u32 $0x3FFFFF80, s1  }
0x53: {  	_ =	swait.ge [sflag:s6], s31  }
0x54: {  	s0 =	ssub.s32 $0x0, s31;
	[sflag:s6] =	ssyncset.done $0x0  }
0x55: {  	[sflag:s6] =	ssyncadd.s32 s0  }
0x56: {  	s0 =	sshll.u32 s13, $0x2  }
0x57: {  	s0 =	sand.u32 $0x10000, s0  }
0x58: {  	s26 =	sshrl.u32 s0, $0x2  }
0x59: {  	s28 =	simm.s32 $0x0;
	s29 =	simm.s32 $0x0;
	s27 =	sor.u32 $0x8000, s26  }
.LBB1_4:
0x5a: {  	s0 =	sand.u32 $0x3F80, s28  }
0x5b: {  	s31 =	simm.s32 $0x0;
	s1 =	simm.s32 $0x0;
	s11 =	sadd.s32 s0, s27  }
.LBB1_5:
0x5c: {  	s0 =	sand.u32 $0x7, s31  }
0x5d: {  	s0 =	sadd.s32 s0, s29  }
0x5e: {  	s0 =	sshll.u32 s0, $0x9  }
0x5f: {  	s0 =	sshra.s32 s0, $0x2  }
0x60: {  	s4 =	simm.s32 $0xFFFFFFF0;
	s30 =	smov.u32 s11;
	s0 =	sadd.s32 s0, s26  }
.LBB1_6:
0x61: {  	s4 =	sadd.s32 $0x10, s4  }
0x62: {  	v0 =	vld [tilespmem:s0+$0x0];
	p0 =	slt.u32 s4, $0x70  }
.Ltmp4:
0x63: {  	_ = 	snop;
	(pc) =	sbr.rel @p0 .LBB1_6-.Ltmp4, $2  }
0x64: {  	_ =	sdelay $0x2  }
0x65: {  	s0 =	sadd.s32 $0x10, s0;
	[tilespmem:s30+$0x0] =	vst v0;
	s30 =	sadd.s32 $0x10, s30  }
0x66: {  	s1 =	sadd.s32 $0x1, s1  }
0x67: {  	p0 =	sne.s32 s1, s25  }
.Ltmp5:
0x68: {  	_ = 	snop;
	(pc) =	sbr.rel @p0 .LBB1_5-.Ltmp5, $2  }
0x69: {  	_ =	sdelay $0x2  }
0x6a: {  	s11 =	sadd.s32 $0x4000, s11;
	s31 =	sadd.s32 $0x1, s31  }
0x6b: {  	s29 =	sadd.s32 $0x1, s29  }
0x6c: {  	p0 =	sne.s32 s29, s24  }
.Ltmp6:
0x6d: {  	_ = 	snop;
	(pc) =	sbr.rel @p0 .LBB1_4-.Ltmp6, $4  }
.Ltmp7:
0x6e: {  	_ = 	snop;
	(pc) =	sbr.rel @!p0 .LBB1_9-.Ltmp7, $4  }
0x6f: {  	_ = 	snop  }
0x70: {  	_ = 	snop  }
0x71: {  	s28 =	sadd.s32 $0x80, s28  }
0x72: {  	_ = 	snop  }
.LBB1_11:
0x73: {  	_ =	sfence.sel $0x180000  }
0x74: {  	s0 =	simm.s32 $0x1;
	[bflag:$0x0] =	sbarrier.arrive $0xFFFF  }
0x75: {  	s30 =	simm.s32 $0x2;
	[sflag:s0] =	ssyncpa.u1 $0x1  }
0x76: {  	[sflag:s30] =	ssyncpa.u1 $0x1  }
0x77: {  	_ =	strace $0x9000004A  }
0x78: {  	s31 =	stileid.u32;
	[bflag:$0x2] =	sbarrier.arrive $0xFFFF  }
0x79: {  	p0 =	sne.s32 s31, $0x0;
	s0 =	rddreg [dreg:$0x2]  }
0x7a: {  	s0 =	sadd.s32 @!p0 $0x100000, s0  }
0x7b: {  	[sflag:s0] =	ssyncadd.tile.s32 @!p0 $0x1;
	_ =	shalt  }
.Lfunc_end1:
_tile_overlayer_lowered:
.L_overlay_start_2:
0x7c: {  	(tag) =	ssettag $0x2  }
0x7d: {  	s0 =	rddreg [dreg:$0x0];
	s2 =	stileid.u32  }
0x7e: {  	s1 =	rddreg [dreg:$0x1];
	p0 =	sne.s32 s2, $0x0  }
0x7f: {  	s3 =	rddreg [dreg:$0x2];
	[bflag:$0x3] =	sbarrier.arrive $0xFFFF;
	s2 =	simm.s32 @!p0 $0x1C01  }
0x80: {  	[timem:s3], [sflag:s2] =	dma.local @!p0 [hbm:s0], s1  }
0x81: {  	s0 =	simm.s32 @!p0 $0x1  }
0x82: {  	_ =	swait.ge @!p0 [sflag:s0], s1  }
0x83: {  	s1 =	ssub.s32 @!p0 $0x0, s1;
	[sflag:s0] =	ssyncset.done @!p0 $0x0  }
0x84: {  	[sflag:s0] =	ssyncadd.s32 @!p0 s1  }
0x85: {  	[bflag:$0x3] =	sbarrier.arrive $0xFFFF  }
0x86: {  	_ =	shalt  }

</sc_bundles>
